<compile_context>
chip_gen: v7x
topology: tpu7x:2x2x1
jax: 0.10.2.dev20260603
libtpu: 0.0.44.dev20260713+nightly
codegen_flags: <defaults>
</compile_context>

<pallas_src>
import functools

import jax
import jax.numpy as jnp
from jax import lax
from jax.experimental import pallas as pl

_C = 6
_BETA = 0.5
_B = 32
_A = 65536
_LANES = 128
_ROWS = _A // _LANES
_S = 64
_NJ = _ROWS // _S
_INF_BITS = 0x7F800000


def _pass1_body(pre_ref, bat_ref, x_ref, np_ref, pl_ref, bx_ref, nx_ref):
    j = pl.program_id(1)

    pr = [pre_ref[0, c] for c in range(10)]
    ch = [bat_ref[0, c] for c in range(10)]

    mx = ch[0]
    for c in range(1, _C):
        mx = jnp.maximum(mx, ch[c])
    pos = mx > 0.0

    tgt = pr[_C - 1]
    for c in range(_C - 1, -1, -1):
        tgt = jnp.where(ch[c] == mx, pr[c], tgt)

    m = pr[0]
    for c in range(1, _C):
        m = jnp.maximum(m, pr[c])
    e = jnp.exp(pr[0] - m)
    for c in range(1, _C):
        e = e + jnp.exp(pr[c] - m)
    lse = m + jnp.log(e)

    ce = lse - tgt
    x = lse - pr[0]
    x_ref[0] = jnp.where(pos, -1.0, x)

    sl1 = None
    for c in range(_C, 10):
        d = jnp.abs(pr[c] - ch[c])
        t = jnp.where(d < 1.0, 0.5 * d * d, d - 0.5)
        sl1 = t if sl1 is None else sl1 + t

    n_pos = jnp.sum(jnp.where(pos, 1.0, 0.0))
    pos_ce = jnp.sum(jnp.where(pos, ce, 0.0))
    neg_x = jnp.sum(jnp.where(pos, 0.0, x))
    box = jnp.sum(jnp.where(pos, sl1, 0.0))

    zero = jnp.zeros((1, 1, 1), jnp.float32)

    @pl.when(j == 0)
    def _():
        np_ref[...] = zero
        pl_ref[...] = zero
        bx_ref[...] = zero
        nx_ref[...] = zero

    np_ref[...] += n_pos.reshape(1, 1, 1)
    pl_ref[...] += pos_ce.reshape(1, 1, 1)
    bx_ref[...] += box.reshape(1, 1, 1)
    nx_ref[...] += neg_x.reshape(1, 1, 1)


def _pass2_body(x_ref, np_ref, pl_ref, bx_ref, nx_ref, o1_ref, o2_ref, o3_ref):
    X = x_ref[...]
    n_pos = np_ref[...]
    pos_loss = pl_ref[...]
    box_sum = bx_ref[...]
    s_all = nx_ref[...]

    n_neg = float(_A) - n_pos
    k = jnp.minimum(3.0 * n_pos, n_neg)

    unresolved = jnp.logical_and(k > 0.0, k < n_neg)
    lo0 = jnp.zeros((_B, 1, 1), jnp.int32)
    hi0 = jnp.where(unresolved, _INF_BITS, 0).astype(jnp.int32)

    def cond(carry):
        lo, hi = carry
        return jnp.max(hi - lo) > 0

    def body(carry):
        lo, hi = carry
        mid = lo + ((hi - lo) >> 1)
        t = lax.bitcast_convert_type(mid, jnp.float32)
        cnt = jnp.sum(jnp.where(X > t, 1.0, 0.0), axis=(1, 2), keepdims=True)
        p = cnt < k
        return jnp.where(p, lo, mid + 1), jnp.where(p, mid, hi)

    lo, _ = lax.while_loop(cond, body, (lo0, hi0))

    t = lax.bitcast_convert_type(lo, jnp.float32)
    gt = X > t
    cnt_gt = jnp.sum(jnp.where(gt, 1.0, 0.0), axis=(1, 2), keepdims=True)
    sum_gt = jnp.sum(jnp.where(gt, X, 0.0), axis=(1, 2), keepdims=True)
    neg_sel = sum_gt + (k - cnt_gt) * t

    neg_loss = jnp.where(k <= 0.0, 0.0, jnp.where(k >= n_neg, s_all, neg_sel))

    has_neg = n_neg > 0.0
    denom = jnp.maximum(jnp.where(has_neg, k + n_pos, n_pos), 1.0)
    lpb = jnp.where(has_neg, pos_loss + neg_loss, pos_loss) / denom
    valid = n_pos > 0.0
    count = jnp.sum(jnp.where(valid, 1.0, 0.0))
    class_sum = jnp.sum(jnp.where(valid, lpb, 0.0))
    l_class = jnp.where(count > 0.0, class_sum / jnp.maximum(count, 1.0), 0.0)

    npt = jnp.sum(n_pos)
    l_box = jnp.where(npt > 0.0, jnp.sum(box_sum) / (npt + 1e-6), 0.0)

    o1_ref[...] = (l_class + _BETA * l_box).reshape(1, 1)
    o2_ref[...] = l_class.reshape(1, 1)
    o3_ref[...] = l_box.reshape(1, 1)


@functools.partial(jax.jit, static_argnames=("interpret",))
def kernel(y_pre, y_batch, interpret=False):
    yt_pre = jnp.transpose(y_pre, (0, 2, 1)).reshape(_B, 10, _ROWS, _LANES)
    yt_bat = jnp.transpose(y_batch, (0, 2, 1)).reshape(_B, 10, _ROWS, _LANES)

    part = jax.ShapeDtypeStruct((_B, 1, 1), jnp.float32)
    X, n_pos, pos_loss, box_sum, neg_x = pl.pallas_call(
        _pass1_body,
        grid=(_B, _NJ),
        in_specs=[
            pl.BlockSpec((1, 10, _S, _LANES), lambda b, j: (b, 0, j, 0)),
            pl.BlockSpec((1, 10, _S, _LANES), lambda b, j: (b, 0, j, 0)),
        ],
        out_specs=[
            pl.BlockSpec((1, _S, _LANES), lambda b, j: (b, j, 0)),
            pl.BlockSpec((1, 1, 1), lambda b, j: (b, 0, 0)),
            pl.BlockSpec((1, 1, 1), lambda b, j: (b, 0, 0)),
            pl.BlockSpec((1, 1, 1), lambda b, j: (b, 0, 0)),
            pl.BlockSpec((1, 1, 1), lambda b, j: (b, 0, 0)),
        ],
        out_shape=[
            jax.ShapeDtypeStruct((_B, _ROWS, _LANES), jnp.float32),
            part, part, part, part,
        ],
        interpret=interpret,
    )(yt_pre, yt_bat)

    scal = jax.ShapeDtypeStruct((1, 1), jnp.float32)
    total, l_class, l_box = pl.pallas_call(
        _pass2_body,
        out_shape=[scal, scal, scal],
        interpret=interpret,
    )(X, n_pos, pos_loss, box_sum, neg_x)

    return (total[0, 0], l_class[0, 0], l_box[0, 0])

# --- scband reference (transcript-rebuilt; emitter-appended) ---
"""Pipeline reference for scband-custom-loss-24644522344572 (READ-ONLY COPY).

The authoritative reference and input builder live on the scoring server;
editing this copy changes nothing except your own understanding.
"""

import jax, jax.numpy as jnp
import numpy as np

NUM_CLASSES = 6
BETA = 0.5


def _ce_sum(logits, targets):
    logp = jax.nn.log_softmax(logits, axis=-1)
    return -jnp.sum(jnp.take_along_axis(logp, targets[:, None], axis=1))


def _smooth_l1_sum(pred, tgt):
    d = jnp.abs(pred - tgt)
    return jnp.sum(jnp.where(d < 1.0, 0.5 * d * d, d - 0.5))


def setup_inputs(seed: int = 0) -> dict:
    key = jax.random.key(seed)
    k1, k2 = jax.random.split(key)
    y_pre = jax.random.normal(k1, (32, 65536, 10), dtype=jnp.float32)
    y_batch = jax.random.normal(k2, (32, 65536, 10), dtype=jnp.float32)
    return {"y_pre": y_pre, "y_batch": y_batch}


def reference(y_pre, y_batch):
    c_pre = y_pre[:, :, :NUM_CLASSES]
    b_pre = y_pre[:, :, NUM_CLASSES:]
    c_hat = y_batch[:, :, :NUM_CLASSES]
    b_hat = y_batch[:, :, NUM_CLASSES:]
    B = c_pre.shape[0]
    A = c_pre.shape[1]
    pos_mask = jnp.max(c_hat, axis=2) > 0  # (B, A)
    neg_mask = ~pos_mask
    n_pos = jnp.sum(pos_mask, axis=1)  # (B,)
    n_neg = A - n_pos
    num_neg = jnp.minimum(3 * n_pos, n_neg)

    logp = jax.nn.log_softmax(c_pre, axis=-1)  # (B, A, C)
    targets = jnp.argmax(c_hat, axis=2)  # (B, A)
    ce_all = -jnp.take_along_axis(logp, targets[..., None], axis=2)[..., 0]
    pos_loss = jnp.sum(jnp.where(pos_mask, ce_all, 0.0), axis=1)  # (B,)

    neg_conf = jax.nn.softmax(c_pre, axis=2)[:, :, 0]  # (B, A)
    conf_for_sort = jnp.where(neg_mask, neg_conf, jnp.inf)
    order = jnp.argsort(conf_for_sort, axis=1)  # (B, A)
    neg_logp0 = jnp.take_along_axis(logp[:, :, 0], order, axis=1)  # (B, A)
    ranks = jnp.arange(A)[None, :]
    hard_mask = ranks < num_neg[:, None]
    neg_loss = -jnp.sum(jnp.where(hard_mask, neg_logp0, 0.0), axis=1)  # (B,)

    has_neg = n_neg > 0
    denom = jnp.where(has_neg, num_neg + n_pos, n_pos)
    denom = jnp.maximum(denom, 1)
    loss_per_batch = jnp.where(has_neg, pos_loss + neg_loss, pos_loss) / denom

    valid = n_pos > 0
    count = jnp.sum(valid)
    class_sum = jnp.sum(jnp.where(valid, loss_per_batch, 0.0))
    L_class = jnp.where(
        count > 0,
        class_sum / jnp.maximum(count, 1),
        jnp.asarray(0.0, dtype=y_pre.dtype),
    )

    d = jnp.abs(b_pre - b_hat)
    sl1 = jnp.where(d < 1.0, 0.5 * d * d, d - 0.5)
    box_sum = jnp.sum(jnp.where(pos_mask[..., None], sl1, 0.0))
    n_pos_total = jnp.sum(pos_mask)
    L_box = jnp.where(
        n_pos_total > 0,
        box_sum / (n_pos_total.astype(y_pre.dtype) + 1e-06),
        jnp.asarray(0.0, dtype=y_pre.dtype),
    )
    total_loss = L_class + BETA * L_box
    return (total_loss, L_class, L_box)

if __name__ == "__main__":
    import jax
    _d = setup_inputs()
    print(jax.jit(kernel)(*tuple(_d.values())))

</pallas_src>

<mosaic_0001>
module attributes {stable_mosaic.version = 14 : i64} {
  func.func @_pass1_body(%arg0: i32, %arg1: i32, %arg2: memref<1x10x64x128xf32, #tpu.memory_space<vmem>>, %arg3: memref<1x10x64x128xf32, #tpu.memory_space<vmem>>, %arg4: memref<1x64x128xf32, #tpu.memory_space<vmem>>, %arg5: memref<1x1x1xf32, #tpu.memory_space<vmem>>, %arg6: memref<1x1x1xf32, #tpu.memory_space<vmem>>, %arg7: memref<1x1x1xf32, #tpu.memory_space<vmem>>, %arg8: memref<1x1x1xf32, #tpu.memory_space<vmem>>) attributes {dimension_semantics = [#tpu.dimension_semantics<arbitrary>, #tpu.dimension_semantics<arbitrary>], iteration_bounds = array<i64: 32, 8>, scalar_prefetch = 0 : i64, scratch_operands = 0 : i64, tpu.core_type = #tpu.core_type<tc>, window_params = [{transform_indices = @transform_0, window_bounds = array<i64: 1, 10, 64, 128>}, {transform_indices = @transform_1, window_bounds = array<i64: 1, 10, 64, 128>}, {transform_indices = @transform_2, window_bounds = array<i64: 1, 64, 128>}, {transform_indices = @transform_3, window_bounds = array<i64: 1, 1, 1>}, {transform_indices = @transform_4, window_bounds = array<i64: 1, 1, 1>}, {transform_indices = @transform_5, window_bounds = array<i64: 1, 1, 1>}, {transform_indices = @transform_6, window_bounds = array<i64: 1, 1, 1>}]} {
    %get3A = arith.constant 0 : index
    %get3A_0 = arith.constant 0 : index
    %get3A_1 = arith.constant 0 : index
    %get3A_2 = arith.constant 0 : index
    %get3A_3 = vector.load %arg2[%get3A, %get3A_0, %get3A_1, %get3A_2] : memref<1x10x64x128xf32, #tpu.memory_space<vmem>>, vector<1x1x64x128xf32>
    %get3A_4 = vector.shape_cast %get3A_3 : vector<1x1x64x128xf32> to vector<64x128xf32>
    %get3A_5 = arith.constant 0 : index
    %get3A_6 = arith.constant 1 : index
    %get3A_7 = arith.constant 0 : index
    %get3A_8 = arith.constant 0 : index
    %get3A_9 = vector.load %arg2[%get3A_5, %get3A_6, %get3A_7, %get3A_8] : memref<1x10x64x128xf32, #tpu.memory_space<vmem>>, vector<1x1x64x128xf32>
    %get3A_10 = vector.shape_cast %get3A_9 : vector<1x1x64x128xf32> to vector<64x128xf32>
    %get3A_11 = arith.constant 0 : index
    %get3A_12 = arith.constant 2 : index
    %get3A_13 = arith.constant 0 : index
    %get3A_14 = arith.constant 0 : index
    %get3A_15 = vector.load %arg2[%get3A_11, %get3A_12, %get3A_13, %get3A_14] : memref<1x10x64x128xf32, #tpu.memory_space<vmem>>, vector<1x1x64x128xf32>
    %get3A_16 = vector.shape_cast %get3A_15 : vector<1x1x64x128xf32> to vector<64x128xf32>
    %get3A_17 = arith.constant 0 : index
    %get3A_18 = arith.constant 3 : index
    %get3A_19 = arith.constant 0 : index
    %get3A_20 = arith.constant 0 : index
    %get3A_21 = vector.load %arg2[%get3A_17, %get3A_18, %get3A_19, %get3A_20] : memref<1x10x64x128xf32, #tpu.memory_space<vmem>>, vector<1x1x64x128xf32>
    %get3A_22 = vector.shape_cast %get3A_21 : vector<1x1x64x128xf32> to vector<64x128xf32>
    %get3A_23 = arith.constant 0 : index
    %get3A_24 = arith.constant 4 : index
    %get3A_25 = arith.constant 0 : index
    %get3A_26 = arith.constant 0 : index
    %get3A_27 = vector.load %arg2[%get3A_23, %get3A_24, %get3A_25, %get3A_26] : memref<1x10x64x128xf32, #tpu.memory_space<vmem>>, vector<1x1x64x128xf32>
    %get3A_28 = vector.shape_cast %get3A_27 : vector<1x1x64x128xf32> to vector<64x128xf32>
    %get3A_29 = arith.constant 0 : index
    %get3A_30 = arith.constant 5 : index
    %get3A_31 = arith.constant 0 : index
    %get3A_32 = arith.constant 0 : index
    %get3A_33 = vector.load %arg2[%get3A_29, %get3A_30, %get3A_31, %get3A_32] : memref<1x10x64x128xf32, #tpu.memory_space<vmem>>, vector<1x1x64x128xf32>
    %get3A_34 = vector.shape_cast %get3A_33 : vector<1x1x64x128xf32> to vector<64x128xf32>
    %get3A_35 = arith.constant 0 : index
    %get3A_36 = arith.constant 6 : index
    %get3A_37 = arith.constant 0 : index
    %get3A_38 = arith.constant 0 : index
    %get3A_39 = vector.load %arg2[%get3A_35, %get3A_36, %get3A_37, %get3A_38] : memref<1x10x64x128xf32, #tpu.memory_space<vmem>>, vector<1x1x64x128xf32>
    %get3A_40 = vector.shape_cast %get3A_39 : vector<1x1x64x128xf32> to vector<64x128xf32>
    %get3A_41 = arith.constant 0 : index
    %get3A_42 = arith.constant 7 : index
    %get3A_43 = arith.constant 0 : index
    %get3A_44 = arith.constant 0 : index
    %get3A_45 = vector.load %arg2[%get3A_41, %get3A_42, %get3A_43, %get3A_44] : memref<1x10x64x128xf32, #tpu.memory_space<vmem>>, vector<1x1x64x128xf32>
    %get3A_46 = vector.shape_cast %get3A_45 : vector<1x1x64x128xf32> to vector<64x128xf32>
    %get3A_47 = arith.constant 0 : index
    %get3A_48 = arith.constant 8 : index
    %get3A_49 = arith.constant 0 : index
    %get3A_50 = arith.constant 0 : index
    %get3A_51 = vector.load %arg2[%get3A_47, %get3A_48, %get3A_49, %get3A_50] : memref<1x10x64x128xf32, #tpu.memory_space<vmem>>, vector<1x1x64x128xf32>
    %get3A_52 = vector.shape_cast %get3A_51 : vector<1x1x64x128xf32> to vector<64x128xf32>
    %get3A_53 = arith.constant 0 : index
    %get3A_54 = arith.constant 9 : index
    %get3A_55 = arith.constant 0 : index
    %get3A_56 = arith.constant 0 : index
    %get3A_57 = vector.load %arg2[%get3A_53, %get3A_54, %get3A_55, %get3A_56] : memref<1x10x64x128xf32, #tpu.memory_space<vmem>>, vector<1x1x64x128xf32>
    %get3A_58 = vector.shape_cast %get3A_57 : vector<1x1x64x128xf32> to vector<64x128xf32>
    %get3A_59 = arith.constant 0 : index
    %get3A_60 = arith.constant 0 : index
    %get3A_61 = arith.constant 0 : index
    %get3A_62 = arith.constant 0 : index
    %get3A_63 = vector.load %arg3[%get3A_59, %get3A_60, %get3A_61, %get3A_62] : memref<1x10x64x128xf32, #tpu.memory_space<vmem>>, vector<1x1x64x128xf32>
    %get3A_64 = vector.shape_cast %get3A_63 : vector<1x1x64x128xf32> to vector<64x128xf32>
    %get3A_65 = arith.constant 0 : index
    %get3A_66 = arith.constant 1 : index
    %get3A_67 = arith.constant 0 : index
    %get3A_68 = arith.constant 0 : index
    %get3A_69 = vector.load %arg3[%get3A_65, %get3A_66, %get3A_67, %get3A_68] : memref<1x10x64x128xf32, #tpu.memory_space<vmem>>, vector<1x1x64x128xf32>
    %get3A_70 = vector.shape_cast %get3A_69 : vector<1x1x64x128xf32> to vector<64x128xf32>
    %get3A_71 = arith.constant 0 : index
    %get3A_72 = arith.constant 2 : index
    %get3A_73 = arith.constant 0 : index
    %get3A_74 = arith.constant 0 : index
    %get3A_75 = vector.load %arg3[%get3A_71, %get3A_72, %get3A_73, %get3A_74] : memref<1x10x64x128xf32, #tpu.memory_space<vmem>>, vector<1x1x64x128xf32>
    %get3A_76 = vector.shape_cast %get3A_75 : vector<1x1x64x128xf32> to vector<64x128xf32>
    %get3A_77 = arith.constant 0 : index
    %get3A_78 = arith.constant 3 : index
    %get3A_79 = arith.constant 0 : index
    %get3A_80 = arith.constant 0 : index
    %get3A_81 = vector.load %arg3[%get3A_77, %get3A_78, %get3A_79, %get3A_80] : memref<1x10x64x128xf32, #tpu.memory_space<vmem>>, vector<1x1x64x128xf32>
    %get3A_82 = vector.shape_cast %get3A_81 : vector<1x1x64x128xf32> to vector<64x128xf32>
    %get3A_83 = arith.constant 0 : index
    %get3A_84 = arith.constant 4 : index
    %get3A_85 = arith.constant 0 : index
    %get3A_86 = arith.constant 0 : index
    %get3A_87 = vector.load %arg3[%get3A_83, %get3A_84, %get3A_85, %get3A_86] : memref<1x10x64x128xf32, #tpu.memory_space<vmem>>, vector<1x1x64x128xf32>
    %get3A_88 = vector.shape_cast %get3A_87 : vector<1x1x64x128xf32> to vector<64x128xf32>
    %get3A_89 = arith.constant 0 : index
    %get3A_90 = arith.constant 5 : index
    %get3A_91 = arith.constant 0 : index
    %get3A_92 = arith.constant 0 : index
    %get3A_93 = vector.load %arg3[%get3A_89, %get3A_90, %get3A_91, %get3A_92] : memref<1x10x64x128xf32, #tpu.memory_space<vmem>>, vector<1x1x64x128xf32>
    %get3A_94 = vector.shape_cast %get3A_93 : vector<1x1x64x128xf32> to vector<64x128xf32>
    %get3A_95 = arith.constant 0 : index
    %get3A_96 = arith.constant 6 : index
    %get3A_97 = arith.constant 0 : index
    %get3A_98 = arith.constant 0 : index
    %get3A_99 = vector.load %arg3[%get3A_95, %get3A_96, %get3A_97, %get3A_98] : memref<1x10x64x128xf32, #tpu.memory_space<vmem>>, vector<1x1x64x128xf32>
    %get3A_100 = vector.shape_cast %get3A_99 : vector<1x1x64x128xf32> to vector<64x128xf32>
    %get3A_101 = arith.constant 0 : index
    %get3A_102 = arith.constant 7 : index
    %get3A_103 = arith.constant 0 : index
    %get3A_104 = arith.constant 0 : index
    %get3A_105 = vector.load %arg3[%get3A_101, %get3A_102, %get3A_103, %get3A_104] : memref<1x10x64x128xf32, #tpu.memory_space<vmem>>, vector<1x1x64x128xf32>
    %get3A_106 = vector.shape_cast %get3A_105 : vector<1x1x64x128xf32> to vector<64x128xf32>
    %get3A_107 = arith.constant 0 : index
    %get3A_108 = arith.constant 8 : index
    %get3A_109 = arith.constant 0 : index
    %get3A_110 = arith.constant 0 : index
    %get3A_111 = vector.load %arg3[%get3A_107, %get3A_108, %get3A_109, %get3A_110] : memref<1x10x64x128xf32, #tpu.memory_space<vmem>>, vector<1x1x64x128xf32>
    %get3A_112 = vector.shape_cast %get3A_111 : vector<1x1x64x128xf32> to vector<64x128xf32>
    %get3A_113 = arith.constant 0 : index
    %get3A_114 = arith.constant 9 : index
    %get3A_115 = arith.constant 0 : index
    %get3A_116 = arith.constant 0 : index
    %get3A_117 = vector.load %arg3[%get3A_113, %get3A_114, %get3A_115, %get3A_116] : memref<1x10x64x128xf32, #tpu.memory_space<vmem>>, vector<1x1x64x128xf32>
    %get3A_118 = vector.shape_cast %get3A_117 : vector<1x1x64x128xf32> to vector<64x128xf32>
    %max3A = arith.maximumf %get3A_64, %get3A_70 : vector<64x128xf32>
    %max3A_119 = arith.maximumf %max3A, %get3A_76 : vector<64x128xf32>
    %max3A_120 = arith.maximumf %max3A_119, %get3A_82 : vector<64x128xf32>
    %max3A_121 = arith.maximumf %max3A_120, %get3A_88 : vector<64x128xf32>
    %max3A_122 = arith.maximumf %max3A_121, %get3A_94 : vector<64x128xf32>
    %gt3A = arith.constant 0.000000e+00 : f32
    %gt3A_123 = vector.broadcast %gt3A : f32 to vector<64x128xf32>
    %gt3A_124 = arith.cmpf ogt, %max3A_122, %gt3A_123 : vector<64x128xf32>
    %eq3A = arith.cmpf oeq, %get3A_94, %max3A_122 : vector<64x128xf32>
    %select_n3A = arith.select %eq3A, %get3A_34, %get3A_34 : vector<64x128xi1>, vector<64x128xf32>
    %eq3A_125 = arith.cmpf oeq, %get3A_88, %max3A_122 : vector<64x128xf32>
    %select_n3A_126 = arith.select %eq3A_125, %get3A_28, %select_n3A : vector<64x128xi1>, vector<64x128xf32>
    %eq3A_127 = arith.cmpf oeq, %get3A_82, %max3A_122 : vector<64x128xf32>
    %select_n3A_128 = arith.select %eq3A_127, %get3A_22, %select_n3A_126 : vector<64x128xi1>, vector<64x128xf32>
    %eq3A_129 = arith.cmpf oeq, %get3A_76, %max3A_122 : vector<64x128xf32>
    %select_n3A_130 = arith.select %eq3A_129, %get3A_16, %select_n3A_128 : vector<64x128xi1>, vector<64x128xf32>
    %eq3A_131 = arith.cmpf oeq, %get3A_70, %max3A_122 : vector<64x128xf32>
    %select_n3A_132 = arith.select %eq3A_131, %get3A_10, %select_n3A_130 : vector<64x128xi1>, vector<64x128xf32>
    %eq3A_133 = arith.cmpf oeq, %get3A_64, %max3A_122 : vector<64x128xf32>
    %select_n3A_134 = arith.select %eq3A_133, %get3A_4, %select_n3A_132 : vector<64x128xi1>, vector<64x128xf32>
    %max3A_135 = arith.maximumf %get3A_4, %get3A_10 : vector<64x128xf32>
    %max3A_136 = arith.maximumf %max3A_135, %get3A_16 : vector<64x128xf32>
    %max3A_137 = arith.maximumf %max3A_136, %get3A_22 : vector<64x128xf32>
    %max3A_138 = arith.maximumf %max3A_137, %get3A_28 : vector<64x128xf32>
    %max3A_139 = arith.maximumf %max3A_138, %get3A_34 : vector<64x128xf32>
    %sub3A = arith.subf %get3A_4, %max3A_139 : vector<64x128xf32>
    %exp3A = math.exp %sub3A : vector<64x128xf32>
    %sub3A_140 = arith.subf %get3A_10, %max3A_139 : vector<64x128xf32>
    %exp3A_141 = math.exp %sub3A_140 : vector<64x128xf32>
    %add3A = arith.addf %exp3A, %exp3A_141 : vector<64x128xf32>
    %sub3A_142 = arith.subf %get3A_16, %max3A_139 : vector<64x128xf32>
    %exp3A_143 = math.exp %sub3A_142 : vector<64x128xf32>
    %add3A_144 = arith.addf %add3A, %exp3A_143 : vector<64x128xf32>
    %sub3A_145 = arith.subf %get3A_22, %max3A_139 : vector<64x128xf32>
    %exp3A_146 = math.exp %sub3A_145 : vector<64x128xf32>
    %add3A_147 = arith.addf %add3A_144, %exp3A_146 : vector<64x128xf32>
    %sub3A_148 = arith.subf %get3A_28, %max3A_139 : vector<64x128xf32>
    %exp3A_149 = math.exp %sub3A_148 : vector<64x128xf32>
    %add3A_150 = arith.addf %add3A_147, %exp3A_149 : vector<64x128xf32>
    %sub3A_151 = arith.subf %get3A_34, %max3A_139 : vector<64x128xf32>
    %exp3A_152 = math.exp %sub3A_151 : vector<64x128xf32>
    %add3A_153 = arith.addf %add3A_150, %exp3A_152 : vector<64x128xf32>
    %log3A = math.log %add3A_153 : vector<64x128xf32>
    %add3A_154 = arith.addf %max3A_139, %log3A : vector<64x128xf32>
    %sub3A_155 = arith.subf %add3A_154, %select_n3A_134 : vector<64x128xf32>
    %sub3A_156 = arith.subf %add3A_154, %get3A_4 : vector<64x128xf32>
    %jit3A = arith.constant -1.000000e+00 : f32
    %broadcast_in_dim3A = vector.broadcast %jit3A : f32 to vector<64x128xf32>
    %select_n3A_157 = arith.select %gt3A_124, %broadcast_in_dim3A, %sub3A_156 : vector<64x128xi1>, vector<64x128xf32>
    %swap3A = arith.constant 0 : index
    %swap3A_158 = arith.constant 0 : index
    %swap3A_159 = arith.constant 0 : index
    %swap3A_160 = vector.load %arg4[%swap3A, %swap3A_158, %swap3A_159] : memref<1x64x128xf32, #tpu.memory_space<vmem>>, vector<1x64x128xf32>
    %swap3A_161 = vector.shape_cast %swap3A_160 : vector<1x64x128xf32> to vector<64x128xf32>
    %swap3A_162 = vector.shape_cast %select_n3A_157 : vector<64x128xf32> to vector<1x64x128xf32>
    tpu.vector_store %arg4[%swap3A, %swap3A_158, %swap3A_159], %swap3A_162 {strides = array<i32>} : memref<1x64x128xf32, #tpu.memory_space<vmem>>, vector<1x64x128xf32>,
    %sub3A_163 = arith.subf %get3A_40, %get3A_100 : vector<64x128xf32>
    %abs3A = math.absf %sub3A_163 : vector<64x128xf32>
    %lt3A = arith.constant 1.000000e+00 : f32
    %lt3A_164 = vector.broadcast %lt3A : f32 to vector<64x128xf32>
    %lt3A_165 = arith.cmpf olt, %abs3A, %lt3A_164 : vector<64x128xf32>
    %mul3A = arith.constant 5.000000e-01 : f32
    %mul3A_166 = vector.broadcast %mul3A : f32 to vector<64x128xf32>
    %mul3A_167 = arith.mulf %mul3A_166, %abs3A : vector<64x128xf32>
    %mul3A_168 = arith.mulf %mul3A_167, %abs3A : vector<64x128xf32>
    %sub3A_169 = arith.constant 5.000000e-01 : f32
    %sub3A_170 = vector.broadcast %sub3A_169 : f32 to vector<64x128xf32>
    %sub3A_171 = arith.subf %abs3A, %sub3A_170 : vector<64x128xf32>
    %select_n3A_172 = arith.select %lt3A_165, %mul3A_168, %sub3A_171 : vector<64x128xi1>, vector<64x128xf32>
    %sub3A_173 = arith.subf %get3A_46, %get3A_106 : vector<64x128xf32>
    %abs3A_174 = math.absf %sub3A_173 : vector<64x128xf32>
    %lt3A_175 = arith.constant 1.000000e+00 : f32
    %lt3A_176 = vector.broadcast %lt3A_175 : f32 to vector<64x128xf32>
    %lt3A_177 = arith.cmpf olt, %abs3A_174, %lt3A_176 : vector<64x128xf32>
    %mul3A_178 = arith.constant 5.000000e-01 : f32
    %mul3A_179 = vector.broadcast %mul3A_178 : f32 to vector<64x128xf32>
    %mul3A_180 = arith.mulf %mul3A_179, %abs3A_174 : vector<64x128xf32>
    %mul3A_181 = arith.mulf %mul3A_180, %abs3A_174 : vector<64x128xf32>
    %sub3A_182 = arith.constant 5.000000e-01 : f32
    %sub3A_183 = vector.broadcast %sub3A_182 : f32 to vector<64x128xf32>
    %sub3A_184 = arith.subf %abs3A_174, %sub3A_183 : vector<64x128xf32>
    %select_n3A_185 = arith.select %lt3A_177, %mul3A_181, %sub3A_184 : vector<64x128xi1>, vector<64x128xf32>
    %add3A_186 = arith.addf %select_n3A_172, %select_n3A_185 : vector<64x128xf32>
    %sub3A_187 = arith.subf %get3A_52, %get3A_112 : vector<64x128xf32>
    %abs3A_188 = math.absf %sub3A_187 : vector<64x128xf32>
    %lt3A_189 = arith.constant 1.000000e+00 : f32
    %lt3A_190 = vector.broadcast %lt3A_189 : f32 to vector<64x128xf32>
    %lt3A_191 = arith.cmpf olt, %abs3A_188, %lt3A_190 : vector<64x128xf32>
    %mul3A_192 = arith.constant 5.000000e-01 : f32
    %mul3A_193 = vector.broadcast %mul3A_192 : f32 to vector<64x128xf32>
    %mul3A_194 = arith.mulf %mul3A_193, %abs3A_188 : vector<64x128xf32>
    %mul3A_195 = arith.mulf %mul3A_194, %abs3A_188 : vector<64x128xf32>
    %sub3A_196 = arith.constant 5.000000e-01 : f32
    %sub3A_197 = vector.broadcast %sub3A_196 : f32 to vector<64x128xf32>
    %sub3A_198 = arith.subf %abs3A_188, %sub3A_197 : vector<64x128xf32>
    %select_n3A_199 = arith.select %lt3A_191, %mul3A_195, %sub3A_198 : vector<64x128xi1>, vector<64x128xf32>
    %add3A_200 = arith.addf %add3A_186, %select_n3A_199 : vector<64x128xf32>
    %sub3A_201 = arith.subf %get3A_58, %get3A_118 : vector<64x128xf32>
    %abs3A_202 = math.absf %sub3A_201 : vector<64x128xf32>
    %lt3A_203 = arith.constant 1.000000e+00 : f32
    %lt3A_204 = vector.broadcast %lt3A_203 : f32 to vector<64x128xf32>
    %lt3A_205 = arith.cmpf olt, %abs3A_202, %lt3A_204 : vector<64x128xf32>
    %mul3A_206 = arith.constant 5.000000e-01 : f32
    %mul3A_207 = vector.broadcast %mul3A_206 : f32 to vector<64x128xf32>
    %mul3A_208 = arith.mulf %mul3A_207, %abs3A_202 : vector<64x128xf32>
    %mul3A_209 = arith.mulf %mul3A_208, %abs3A_202 : vector<64x128xf32>
    %sub3A_210 = arith.constant 5.000000e-01 : f32
    %sub3A_211 = vector.broadcast %sub3A_210 : f32 to vector<64x128xf32>
    %sub3A_212 = arith.subf %abs3A_202, %sub3A_211 : vector<64x128xf32>
    %select_n3A_213 = arith.select %lt3A_205, %mul3A_209, %sub3A_212 : vector<64x128xi1>, vector<64x128xf32>
    %add3A_214 = arith.addf %add3A_200, %select_n3A_213 : vector<64x128xf32>
    %jit3A_215 = arith.constant 1.000000e+00 : f32
    %jit3A_216 = arith.constant 0.000000e+00 : f32
    %broadcast_in_dim3A_217 = vector.broadcast %jit3A_215 : f32 to vector<64x128xf32>
    %broadcast_in_dim3A_218 = vector.broadcast %jit3A_216 : f32 to vector<64x128xf32>
    %select_n3A_219 = arith.select %gt3A_124, %broadcast_in_dim3A_217, %broadcast_in_dim3A_218 : vector<64x128xi1>, vector<64x128xf32>
    %reduce_sum3A = vector.shape_cast %select_n3A_219 : vector<64x128xf32> to vector<1x64x128xf32>
    %reduce_sum3A_220 = arith.constant dense<0.000000e+00> : vector<1xf32>
    %reduce_sum3A_221 = vector.multi_reduction <add>, %reduce_sum3A, %reduce_sum3A_220 [1, 2] : vector<1x64x128xf32> to vector<1xf32>
    %reduce_sum3A_222 = vector.shape_cast %reduce_sum3A_221 : vector<1xf32> to vector<1x1x1xf32>
    %reduce_sum3A_223 = vector.extract %reduce_sum3A_222[0, 0, 0] : f32 from vector<1x1x1xf32>
    %jit3A_224 = arith.constant 0.000000e+00 : f32
    %broadcast_in_dim3A_225 = vector.broadcast %jit3A_224 : f32 to vector<64x128xf32>
    %select_n3A_226 = arith.select %gt3A_124, %sub3A_155, %broadcast_in_dim3A_225 : vector<64x128xi1>, vector<64x128xf32>
    %reduce_sum3A_227 = vector.shape_cast %select_n3A_226 : vector<64x128xf32> to vector<1x64x128xf32>
    %reduce_sum3A_228 = arith.constant dense<0.000000e+00> : vector<1xf32>
    %reduce_sum3A_229 = vector.multi_reduction <add>, %reduce_sum3A_227, %reduce_sum3A_228 [1, 2] : vector<1x64x128xf32> to vector<1xf32>
    %reduce_sum3A_230 = vector.shape_cast %reduce_sum3A_229 : vector<1xf32> to vector<1x1x1xf32>
    %reduce_sum3A_231 = vector.extract %reduce_sum3A_230[0, 0, 0] : f32 from vector<1x1x1xf32>
    %jit3A_232 = arith.constant 0.000000e+00 : f32
    %broadcast_in_dim3A_233 = vector.broadcast %jit3A_232 : f32 to vector<64x128xf32>
    %select_n3A_234 = arith.select %gt3A_124, %broadcast_in_dim3A_233, %sub3A_156 : vector<64x128xi1>, vector<64x128xf32>
    %reduce_sum3A_235 = vector.shape_cast %select_n3A_234 : vector<64x128xf32> to vector<1x64x128xf32>
    %reduce_sum3A_236 = arith.constant dense<0.000000e+00> : vector<1xf32>
    %reduce_sum3A_237 = vector.multi_reduction <add>, %reduce_sum3A_235, %reduce_sum3A_236 [1, 2] : vector<1x64x128xf32> to vector<1xf32>
    %reduce_sum3A_238 = vector.shape_cast %reduce_sum3A_237 : vector<1xf32> to vector<1x1x1xf32>
    %reduce_sum3A_239 = vector.extract %reduce_sum3A_238[0, 0, 0] : f32 from vector<1x1x1xf32>
    %jit3A_240 = arith.constant 0.000000e+00 : f32
    %broadcast_in_dim3A_241 = vector.broadcast %jit3A_240 : f32 to vector<64x128xf32>
    %select_n3A_242 = arith.select %gt3A_124, %add3A_214, %broadcast_in_dim3A_241 : vector<64x128xi1>, vector<64x128xf32>
    %reduce_sum3A_243 = vector.shape_cast %select_n3A_242 : vector<64x128xf32> to vector<1x64x128xf32>
    %reduce_sum3A_244 = arith.constant dense<0.000000e+00> : vector<1xf32>
    %reduce_sum3A_245 = vector.multi_reduction <add>, %reduce_sum3A_243, %reduce_sum3A_244 [1, 2] : vector<1x64x128xf32> to vector<1xf32>
    %reduce_sum3A_246 = vector.shape_cast %reduce_sum3A_245 : vector<1xf32> to vector<1x1x1xf32>
    %reduce_sum3A_247 = vector.extract %reduce_sum3A_246[0, 0, 0] : f32 from vector<1x1x1xf32>
    %broadcast_in_dim3A_248 = arith.constant 0.000000e+00 : f32
    %broadcast_in_dim3A_249 = vector.broadcast %broadcast_in_dim3A_248 : f32 to vector<1x1x1xf32>
    %eq3A_250 = arith.constant 0 : i32
    %eq3A_251 = arith.cmpi eq, %arg1, %eq3A_250 : i32
    %convert_element_type3A = arith.extui %eq3A_251 : i1 to i32
    %cond3A = arith.constant 0 : i32
    %cond3A_252 = arith.cmpi ne, %convert_element_type3A, %cond3A : i32
    scf.if %cond3A_252 {
      %swap3A_292 = arith.constant 0 : index
      %swap3A_293 = arith.constant 0 : index
      %swap3A_294 = arith.constant 0 : index
      %swap3A_295 = vector.load %arg5[%swap3A_292, %swap3A_293, %swap3A_294] : memref<1x1x1xf32, #tpu.memory_space<vmem>>, vector<1x1x1xf32>
      tpu.vector_store %arg5[%swap3A_292, %swap3A_293, %swap3A_294], %broadcast_in_dim3A_249 {strides = array<i32>} : memref<1x1x1xf32, #tpu.memory_space<vmem>>, vector<1x1x1xf32>,
      %swap3A_296 = arith.constant 0 : index
      %swap3A_297 = arith.constant 0 : index
      %swap3A_298 = arith.constant 0 : index
      %swap3A_299 = vector.load %arg6[%swap3A_296, %swap3A_297, %swap3A_298] : memref<1x1x1xf32, #tpu.memory_space<vmem>>, vector<1x1x1xf32>
      tpu.vector_store %arg6[%swap3A_296, %swap3A_297, %swap3A_298], %broadcast_in_dim3A_249 {strides = array<i32>} : memref<1x1x1xf32, #tpu.memory_space<vmem>>, vector<1x1x1xf32>,
      %swap3A_300 = arith.constant 0 : index
      %swap3A_301 = arith.constant 0 : index
      %swap3A_302 = arith.constant 0 : index
      %swap3A_303 = vector.load %arg7[%swap3A_300, %swap3A_301, %swap3A_302] : memref<1x1x1xf32, #tpu.memory_space<vmem>>, vector<1x1x1xf32>
      tpu.vector_store %arg7[%swap3A_300, %swap3A_301, %swap3A_302], %broadcast_in_dim3A_249 {strides = array<i32>} : memref<1x1x1xf32, #tpu.memory_space<vmem>>, vector<1x1x1xf32>,
      %swap3A_304 = arith.constant 0 : index
      %swap3A_305 = arith.constant 0 : index
      %swap3A_306 = arith.constant 0 : index
      %swap3A_307 = vector.load %arg8[%swap3A_304, %swap3A_305, %swap3A_306] : memref<1x1x1xf32, #tpu.memory_space<vmem>>, vector<1x1x1xf32>
      tpu.vector_store %arg8[%swap3A_304, %swap3A_305, %swap3A_306], %broadcast_in_dim3A_249 {strides = array<i32>} : memref<1x1x1xf32, #tpu.memory_space<vmem>>, vector<1x1x1xf32>,
    } else {
    }
    %get3A_253 = arith.constant 0 : index
    %get3A_254 = arith.constant 0 : index
    %get3A_255 = arith.constant 0 : index
    %get3A_256 = vector.load %arg5[%get3A_253, %get3A_254, %get3A_255] : memref<1x1x1xf32, #tpu.memory_space<vmem>>, vector<1x1x1xf32>
    %reshape3A = vector.broadcast %reduce_sum3A_223 : f32 to vector<1x1x1xf32>
    %add3A_257 = arith.addf %get3A_256, %reshape3A : vector<1x1x1xf32>
    %swap3A_258 = arith.constant 0 : index
    %swap3A_259 = arith.constant 0 : index
    %swap3A_260 = arith.constant 0 : index
    %swap3A_261 = vector.load %arg5[%swap3A_258, %swap3A_259, %swap3A_260] : memref<1x1x1xf32, #tpu.memory_space<vmem>>, vector<1x1x1xf32>
    tpu.vector_store %arg5[%swap3A_258, %swap3A_259, %swap3A_260], %add3A_257 {strides = array<i32>} : memref<1x1x1xf32, #tpu.memory_space<vmem>>, vector<1x1x1xf32>,
    %get3A_262 = arith.constant 0 : index
    %get3A_263 = arith.constant 0 : index
    %get3A_264 = arith.constant 0 : index
    %get3A_265 = vector.load %arg6[%get3A_262, %get3A_263, %get3A_264] : memref<1x1x1xf32, #tpu.memory_space<vmem>>, vector<1x1x1xf32>
    %reshape3A_266 = vector.broadcast %reduce_sum3A_231 : f32 to vector<1x1x1xf32>
    %add3A_267 = arith.addf %get3A_265, %reshape3A_266 : vector<1x1x1xf32>
    %swap3A_268 = arith.constant 0 : index
    %swap3A_269 = arith.constant 0 : index
    %swap3A_270 = arith.constant 0 : index
    %swap3A_271 = vector.load %arg6[%swap3A_268, %swap3A_269, %swap3A_270] : memref<1x1x1xf32, #tpu.memory_space<vmem>>, vector<1x1x1xf32>
    tpu.vector_store %arg6[%swap3A_268, %swap3A_269, %swap3A_270], %add3A_267 {strides = array<i32>} : memref<1x1x1xf32, #tpu.memory_space<vmem>>, vector<1x1x1xf32>,
    %get3A_272 = arith.constant 0 : index
    %get3A_273 = arith.constant 0 : index
    %get3A_274 = arith.constant 0 : index
    %get3A_275 = vector.load %arg7[%get3A_272, %get3A_273, %get3A_274] : memref<1x1x1xf32, #tpu.memory_space<vmem>>, vector<1x1x1xf32>
    %reshape3A_276 = vector.broadcast %reduce_sum3A_247 : f32 to vector<1x1x1xf32>
    %add3A_277 = arith.addf %get3A_275, %reshape3A_276 : vector<1x1x1xf32>
    %swap3A_278 = arith.constant 0 : index
    %swap3A_279 = arith.constant 0 : index
    %swap3A_280 = arith.constant 0 : index
    %swap3A_281 = vector.load %arg7[%swap3A_278, %swap3A_279, %swap3A_280] : memref<1x1x1xf32, #tpu.memory_space<vmem>>, vector<1x1x1xf32>
    tpu.vector_store %arg7[%swap3A_278, %swap3A_279, %swap3A_280], %add3A_277 {strides = array<i32>} : memref<1x1x1xf32, #tpu.memory_space<vmem>>, vector<1x1x1xf32>,
    %get3A_282 = arith.constant 0 : index
    %get3A_283 = arith.constant 0 : index
    %get3A_284 = arith.constant 0 : index
    %get3A_285 = vector.load %arg8[%get3A_282, %get3A_283, %get3A_284] : memref<1x1x1xf32, #tpu.memory_space<vmem>>, vector<1x1x1xf32>
    %reshape3A_286 = vector.broadcast %reduce_sum3A_239 : f32 to vector<1x1x1xf32>
    %add3A_287 = arith.addf %get3A_285, %reshape3A_286 : vector<1x1x1xf32>
    %swap3A_288 = arith.constant 0 : index
    %swap3A_289 = arith.constant 0 : index
    %swap3A_290 = arith.constant 0 : index
    %swap3A_291 = vector.load %arg8[%swap3A_288, %swap3A_289, %swap3A_290] : memref<1x1x1xf32, #tpu.memory_space<vmem>>, vector<1x1x1xf32>
    tpu.vector_store %arg8[%swap3A_288, %swap3A_289, %swap3A_290], %add3A_287 {strides = array<i32>} : memref<1x1x1xf32, #tpu.memory_space<vmem>>, vector<1x1x1xf32>,
    return
  }
  func.func @transform_0(%arg0: i32, %arg1: i32) -> (i32, i32, i32, i32) {
    %c0_i32 = arith.constant 0 : i32
    %c0_i32_0 = arith.constant 0 : i32
    %c0_i32_1 = arith.constant 0 : i32
    return %arg0, %c0_i32, %arg1, %c0_i32_0 : i32, i32, i32, i32
  }
  func.func @transform_1(%arg0: i32, %arg1: i32) -> (i32, i32, i32, i32) {
    %c0_i32 = arith.constant 0 : i32
    %c0_i32_0 = arith.constant 0 : i32
    %c0_i32_1 = arith.constant 0 : i32
    return %arg0, %c0_i32, %arg1, %c0_i32_0 : i32, i32, i32, i32
  }
  func.func @transform_2(%arg0: i32, %arg1: i32) -> (i32, i32, i32) {
    %c0_i32 = arith.constant 0 : i32
    %c0_i32_0 = arith.constant 0 : i32
    return %arg0, %arg1, %c0_i32 : i32, i32, i32
  }
  func.func @transform_3(%arg0: i32, %arg1: i32) -> (i32, i32, i32) {
    %c0_i32 = arith.constant 0 : i32
    %c0_i32_0 = arith.constant 0 : i32
    %c0_i32_1 = arith.constant 0 : i32
    return %arg0, %c0_i32, %c0_i32_0 : i32, i32, i32
  }
  func.func @transform_4(%arg0: i32, %arg1: i32) -> (i32, i32, i32) {
    %c0_i32 = arith.constant 0 : i32
    %c0_i32_0 = arith.constant 0 : i32
    %c0_i32_1 = arith.constant 0 : i32
    return %arg0, %c0_i32, %c0_i32_0 : i32, i32, i32
  }
  func.func @transform_5(%arg0: i32, %arg1: i32) -> (i32, i32, i32) {
    %c0_i32 = arith.constant 0 : i32
    %c0_i32_0 = arith.constant 0 : i32
    %c0_i32_1 = arith.constant 0 : i32
    return %arg0, %c0_i32, %c0_i32_0 : i32, i32, i32
  }
  func.func @transform_6(%arg0: i32, %arg1: i32) -> (i32, i32, i32) {
    %c0_i32 = arith.constant 0 : i32
    %c0_i32_0 = arith.constant 0 : i32
    %c0_i32_1 = arith.constant 0 : i32
    return %arg0, %c0_i32, %c0_i32_0 : i32, i32, i32
  }
}

module attributes {stable_mosaic.version = 14 : i64} {
  func.func @_pass2_body(%arg0: memref<32x512x128xf32, #tpu.memory_space<vmem>>, %arg1: memref<32x1x1xf32, #tpu.memory_space<vmem>>, %arg2: memref<32x1x1xf32, #tpu.memory_space<vmem>>, %arg3: memref<32x1x1xf32, #tpu.memory_space<vmem>>, %arg4: memref<32x1x1xf32, #tpu.memory_space<vmem>>, %arg5: memref<1x1xf32, #tpu.memory_space<vmem>>, %arg6: memref<1x1xf32, #tpu.memory_space<vmem>>, %arg7: memref<1x1xf32, #tpu.memory_space<vmem>>) attributes {dimension_semantics = [], scalar_prefetch = 0 : i64, scratch_operands = 0 : i64, tpu.core_type = #tpu.core_type<tc>} {
    %get3A = arith.constant 0 : index
    %get3A_0 = arith.constant 0 : index
    %get3A_1 = arith.constant 0 : index
    %get3A_2 = vector.load %arg0[%get3A, %get3A_0, %get3A_1] : memref<32x512x128xf32, #tpu.memory_space<vmem>>, vector<32x512x128xf32>
    %get3A_3 = arith.constant 0 : index
    %get3A_4 = arith.constant 0 : index
    %get3A_5 = arith.constant 0 : index
    %get3A_6 = vector.load %arg1[%get3A_3, %get3A_4, %get3A_5] : memref<32x1x1xf32, #tpu.memory_space<vmem>>, vector<32x1x1xf32>
    %get3A_7 = arith.constant 0 : index
    %get3A_8 = arith.constant 0 : index
    %get3A_9 = arith.constant 0 : index
    %get3A_10 = vector.load %arg2[%get3A_7, %get3A_8, %get3A_9] : memref<32x1x1xf32, #tpu.memory_space<vmem>>, vector<32x1x1xf32>
    %get3A_11 = arith.constant 0 : index
    %get3A_12 = arith.constant 0 : index
    %get3A_13 = arith.constant 0 : index
    %get3A_14 = vector.load %arg3[%get3A_11, %get3A_12, %get3A_13] : memref<32x1x1xf32, #tpu.memory_space<vmem>>, vector<32x1x1xf32>
    %get3A_15 = arith.constant 0 : index
    %get3A_16 = arith.constant 0 : index
    %get3A_17 = arith.constant 0 : index
    %get3A_18 = vector.load %arg4[%get3A_15, %get3A_16, %get3A_17] : memref<32x1x1xf32, #tpu.memory_space<vmem>>, vector<32x1x1xf32>
    %sub3A = arith.constant 6.553600e+04 : f32
    %sub3A_19 = vector.broadcast %sub3A : f32 to vector<32x1x1xf32>
    %sub3A_20 = arith.subf %sub3A_19, %get3A_6 : vector<32x1x1xf32>
    %mul3A = arith.constant 3.000000e+00 : f32
    %mul3A_21 = vector.broadcast %mul3A : f32 to vector<32x1x1xf32>
    %mul3A_22 = arith.mulf %mul3A_21, %get3A_6 : vector<32x1x1xf32>
    %min3A = arith.minimumf %mul3A_22, %sub3A_20 : vector<32x1x1xf32>
    %gt3A = arith.constant 0.000000e+00 : f32
    %gt3A_23 = vector.broadcast %gt3A : f32 to vector<32x1x1xf32>
    %gt3A_24 = arith.cmpf ogt, %min3A, %gt3A_23 : vector<32x1x1xf32>
    %lt3A = arith.cmpf olt, %min3A, %sub3A_20 : vector<32x1x1xf32>
    %and3A = arith.andi %gt3A_24, %lt3A : vector<32x1x1xi1>
    %broadcast_in_dim3A = arith.constant 0 : i32
    %broadcast_in_dim3A_25 = vector.broadcast %broadcast_in_dim3A : i32 to vector<32x1x1xi32>
    %jit3A = arith.constant 2139095040 : i32
    %jit3A_26 = arith.constant 0 : i32
    %broadcast_in_dim3A_27 = vector.broadcast %jit3A : i32 to vector<32x1x1xi32>
    %broadcast_in_dim3A_28 = vector.broadcast %jit3A_26 : i32 to vector<32x1x1xi32>
    %select_n3A = arith.select %and3A, %broadcast_in_dim3A_27, %broadcast_in_dim3A_28 : vector<32x1x1xi1>, vector<32x1x1xi32>
    %while3A:2 = scf.while (%while3A_119 = %broadcast_in_dim3A_25, %while3A_120 = %select_n3A) : (vector<32x1x1xi32>, vector<32x1x1xi32>) -> (vector<32x1x1xi32>, vector<32x1x1xi32>) {
      %sub3A_121 = arith.subi %while3A_120, %while3A_119 : vector<32x1x1xi32>
      %reduce_max3A = vector.shape_cast %sub3A_121 : vector<32x1x1xi32> to vector<1x32x1x1xi32>
      %reduce_max3A_122 = arith.constant dense<-2147483648> : vector<1xi32>
      %reduce_max3A_123 = vector.multi_reduction <maxsi>, %reduce_max3A, %reduce_max3A_122 [1, 2, 3] : vector<1x32x1x1xi32> to vector<1xi32>
      %reduce_max3A_124 = vector.shape_cast %reduce_max3A_123 : vector<1xi32> to vector<1x1x1x1xi32>
      %reduce_max3A_125 = vector.extract %reduce_max3A_124[0, 0, 0, 0] : i32 from vector<1x1x1x1xi32>
      %gt3A_126 = arith.constant 0 : i32
      %gt3A_127 = arith.cmpi sgt, %reduce_max3A_125, %gt3A_126 : i32
      scf.condition(%gt3A_127) %while3A_119, %while3A_120 : vector<32x1x1xi32>, vector<32x1x1xi32>
    } do {
    ^bb0(%while3A_119: vector<32x1x1xi32>, %while3A_120: vector<32x1x1xi32>):
      %sub3A_121 = arith.subi %while3A_120, %while3A_119 : vector<32x1x1xi32>
      %shift_right_arithmetic3A = arith.constant 1 : i32
      %shift_right_arithmetic3A_122 = vector.broadcast %shift_right_arithmetic3A : i32 to vector<32x1x1xi32>
      %shift_right_arithmetic3A_123 = arith.shrsi %sub3A_121, %shift_right_arithmetic3A_122 : vector<32x1x1xi32>
      %add3A_124 = arith.addi %while3A_119, %shift_right_arithmetic3A_123 : vector<32x1x1xi32>
      %bitcast_convert_type3A_125 = tpu.bitcast %add3A_124 : vector<32x1x1xi32> -> vector<32x1x1xf32>
      %gt3A_126 = vector.broadcast %bitcast_convert_type3A_125 : vector<32x1x1xf32> to vector<32x512x128xf32>
      %gt3A_127 = arith.cmpf ogt, %get3A_2, %gt3A_126 : vector<32x512x128xf32>
      %jit3A_128 = arith.constant 1.000000e+00 : f32
      %jit3A_129 = arith.constant 0.000000e+00 : f32
      %broadcast_in_dim3A_130 = vector.broadcast %jit3A_128 : f32 to vector<32x512x128xf32>
      %broadcast_in_dim3A_131 = vector.broadcast %jit3A_129 : f32 to vector<32x512x128xf32>
      %select_n3A_132 = arith.select %gt3A_127, %broadcast_in_dim3A_130, %broadcast_in_dim3A_131 : vector<32x512x128xi1>, vector<32x512x128xf32>
      %reduce_sum3A_133 = arith.constant dense<0.000000e+00> : vector<32xf32>
      %reduce_sum3A_134 = vector.multi_reduction <add>, %select_n3A_132, %reduce_sum3A_133 [1, 2] : vector<32x512x128xf32> to vector<32xf32>
      %broadcast_in_dim3A_135 = vector.shape_cast %reduce_sum3A_134 : vector<32xf32> to vector<32x1x1xf32>
      %lt3A_136 = arith.cmpf olt, %broadcast_in_dim3A_135, %min3A : vector<32x1x1xf32>
      %add3A_137 = arith.constant 1 : i32
      %add3A_138 = vector.broadcast %add3A_137 : i32 to vector<32x1x1xi32>
      %add3A_139 = arith.addi %add3A_124, %add3A_138 : vector<32x1x1xi32>
      %select_n3A_140 = arith.select %lt3A_136, %while3A_119, %add3A_139 : vector<32x1x1xi1>, vector<32x1x1xi32>
      %select_n3A_141 = arith.select %lt3A_136, %add3A_124, %while3A_120 : vector<32x1x1xi1>, vector<32x1x1xi32>
      scf.yield %select_n3A_140, %select_n3A_141 : vector<32x1x1xi32>, vector<32x1x1xi32>
    }
    %bitcast_convert_type3A = tpu.bitcast %while3A#0 : vector<32x1x1xi32> -> vector<32x1x1xf32>
    %gt3A_29 = vector.broadcast %bitcast_convert_type3A : vector<32x1x1xf32> to vector<32x512x128xf32>
    %gt3A_30 = arith.cmpf ogt, %get3A_2, %gt3A_29 : vector<32x512x128xf32>
    %jit3A_31 = arith.constant 1.000000e+00 : f32
    %jit3A_32 = arith.constant 0.000000e+00 : f32
    %broadcast_in_dim3A_33 = vector.broadcast %jit3A_31 : f32 to vector<32x512x128xf32>
    %broadcast_in_dim3A_34 = vector.broadcast %jit3A_32 : f32 to vector<32x512x128xf32>
    %select_n3A_35 = arith.select %gt3A_30, %broadcast_in_dim3A_33, %broadcast_in_dim3A_34 : vector<32x512x128xi1>, vector<32x512x128xf32>
    %reduce_sum3A = arith.constant dense<0.000000e+00> : vector<32xf32>
    %reduce_sum3A_36 = vector.multi_reduction <add>, %select_n3A_35, %reduce_sum3A [1, 2] : vector<32x512x128xf32> to vector<32xf32>
    %broadcast_in_dim3A_37 = vector.shape_cast %reduce_sum3A_36 : vector<32xf32> to vector<32x1x1xf32>
    %jit3A_38 = arith.constant 0.000000e+00 : f32
    %broadcast_in_dim3A_39 = vector.broadcast %jit3A_38 : f32 to vector<32x512x128xf32>
    %select_n3A_40 = arith.select %gt3A_30, %get3A_2, %broadcast_in_dim3A_39 : vector<32x512x128xi1>, vector<32x512x128xf32>
    %reduce_sum3A_41 = arith.constant dense<0.000000e+00> : vector<32xf32>
    %reduce_sum3A_42 = vector.multi_reduction <add>, %select_n3A_40, %reduce_sum3A_41 [1, 2] : vector<32x512x128xf32> to vector<32xf32>
    %broadcast_in_dim3A_43 = vector.shape_cast %reduce_sum3A_42 : vector<32xf32> to vector<32x1x1xf32>
    %sub3A_44 = arith.subf %min3A, %broadcast_in_dim3A_37 : vector<32x1x1xf32>
    %mul3A_45 = arith.mulf %sub3A_44, %bitcast_convert_type3A : vector<32x1x1xf32>
    %add3A = arith.addf %broadcast_in_dim3A_43, %mul3A_45 : vector<32x1x1xf32>
    %le3A = arith.constant 0.000000e+00 : f32
    %le3A_46 = vector.broadcast %le3A : f32 to vector<32x1x1xf32>
    %le3A_47 = arith.cmpf ole, %min3A, %le3A_46 : vector<32x1x1xf32>
    %ge3A = arith.cmpf oge, %min3A, %sub3A_20 : vector<32x1x1xf32>
    %select_n3A_48 = arith.select %ge3A, %get3A_18, %add3A : vector<32x1x1xi1>, vector<32x1x1xf32>
    %jit3A_49 = arith.constant 0.000000e+00 : f32
    %broadcast_in_dim3A_50 = vector.broadcast %jit3A_49 : f32 to vector<32x1x1xf32>
    %select_n3A_51 = arith.select %le3A_47, %broadcast_in_dim3A_50, %select_n3A_48 : vector<32x1x1xi1>, vector<32x1x1xf32>
    %gt3A_52 = arith.constant 0.000000e+00 : f32
    %gt3A_53 = vector.broadcast %gt3A_52 : f32 to vector<32x1x1xf32>
    %gt3A_54 = arith.cmpf ogt, %sub3A_20, %gt3A_53 : vector<32x1x1xf32>
    %add3A_55 = arith.addf %min3A, %get3A_6 : vector<32x1x1xf32>
    %select_n3A_56 = arith.select %gt3A_54, %add3A_55, %get3A_6 : vector<32x1x1xi1>, vector<32x1x1xf32>
    %max3A = arith.constant 1.000000e+00 : f32
    %max3A_57 = vector.broadcast %max3A : f32 to vector<32x1x1xf32>
    %max3A_58 = arith.maximumf %select_n3A_56, %max3A_57 : vector<32x1x1xf32>
    %add3A_59 = arith.addf %get3A_10, %select_n3A_51 : vector<32x1x1xf32>
    %select_n3A_60 = arith.select %gt3A_54, %add3A_59, %get3A_10 : vector<32x1x1xi1>, vector<32x1x1xf32>
    %div3A = arith.divf %select_n3A_60, %max3A_58 : vector<32x1x1xf32>
    %gt3A_61 = arith.constant 0.000000e+00 : f32
    %gt3A_62 = vector.broadcast %gt3A_61 : f32 to vector<32x1x1xf32>
    %gt3A_63 = arith.cmpf ogt, %get3A_6, %gt3A_62 : vector<32x1x1xf32>
    %jit3A_64 = arith.constant 1.000000e+00 : f32
    %jit3A_65 = arith.constant 0.000000e+00 : f32
    %broadcast_in_dim3A_66 = vector.broadcast %jit3A_64 : f32 to vector<32x1x1xf32>
    %broadcast_in_dim3A_67 = vector.broadcast %jit3A_65 : f32 to vector<32x1x1xf32>
    %select_n3A_68 = arith.select %gt3A_63, %broadcast_in_dim3A_66, %broadcast_in_dim3A_67 : vector<32x1x1xi1>, vector<32x1x1xf32>
    %reduce_sum3A_69 = vector.shape_cast %select_n3A_68 : vector<32x1x1xf32> to vector<1x32x1x1xf32>
    %reduce_sum3A_70 = arith.constant dense<0.000000e+00> : vector<1xf32>
    %reduce_sum3A_71 = vector.multi_reduction <add>, %reduce_sum3A_69, %reduce_sum3A_70 [1, 2, 3] : vector<1x32x1x1xf32> to vector<1xf32>
    %reduce_sum3A_72 = vector.shape_cast %reduce_sum3A_71 : vector<1xf32> to vector<1x1x1x1xf32>
    %reduce_sum3A_73 = vector.extract %reduce_sum3A_72[0, 0, 0, 0] : f32 from vector<1x1x1x1xf32>
    %jit3A_74 = arith.constant 0.000000e+00 : f32
    %broadcast_in_dim3A_75 = vector.broadcast %jit3A_74 : f32 to vector<32x1x1xf32>
    %select_n3A_76 = arith.select %gt3A_63, %div3A, %broadcast_in_dim3A_75 : vector<32x1x1xi1>, vector<32x1x1xf32>
    %reduce_sum3A_77 = vector.shape_cast %select_n3A_76 : vector<32x1x1xf32> to vector<1x32x1x1xf32>
    %reduce_sum3A_78 = arith.constant dense<0.000000e+00> : vector<1xf32>
    %reduce_sum3A_79 = vector.multi_reduction <add>, %reduce_sum3A_77, %reduce_sum3A_78 [1, 2, 3] : vector<1x32x1x1xf32> to vector<1xf32>
    %reduce_sum3A_80 = vector.shape_cast %reduce_sum3A_79 : vector<1xf32> to vector<1x1x1x1xf32>
    %reduce_sum3A_81 = vector.extract %reduce_sum3A_80[0, 0, 0, 0] : f32 from vector<1x1x1x1xf32>
    %gt3A_82 = arith.constant 0.000000e+00 : f32
    %gt3A_83 = arith.cmpf ogt, %reduce_sum3A_73, %gt3A_82 : f32
    %max3A_84 = arith.constant 1.000000e+00 : f32
    %max3A_85 = arith.maximumf %reduce_sum3A_73, %max3A_84 : f32
    %div3A_86 = arith.divf %reduce_sum3A_81, %max3A_85 : f32
    %jit3A_87 = arith.constant 0.000000e+00 : f32
    %select_n3A_88 = arith.select %gt3A_83, %div3A_86, %jit3A_87 : f32
    %reduce_sum3A_89 = vector.shape_cast %get3A_6 : vector<32x1x1xf32> to vector<1x32x1x1xf32>
    %reduce_sum3A_90 = arith.constant dense<0.000000e+00> : vector<1xf32>
    %reduce_sum3A_91 = vector.multi_reduction <add>, %reduce_sum3A_89, %reduce_sum3A_90 [1, 2, 3] : vector<1x32x1x1xf32> to vector<1xf32>
    %reduce_sum3A_92 = vector.shape_cast %reduce_sum3A_91 : vector<1xf32> to vector<1x1x1x1xf32>
    %reduce_sum3A_93 = vector.extract %reduce_sum3A_92[0, 0, 0, 0] : f32 from vector<1x1x1x1xf32>
    %gt3A_94 = arith.constant 0.000000e+00 : f32
    %gt3A_95 = arith.cmpf ogt, %reduce_sum3A_93, %gt3A_94 : f32
    %reduce_sum3A_96 = vector.shape_cast %get3A_14 : vector<32x1x1xf32> to vector<1x32x1x1xf32>
    %reduce_sum3A_97 = arith.constant dense<0.000000e+00> : vector<1xf32>
    %reduce_sum3A_98 = vector.multi_reduction <add>, %reduce_sum3A_96, %reduce_sum3A_97 [1, 2, 3] : vector<1x32x1x1xf32> to vector<1xf32>
    %reduce_sum3A_99 = vector.shape_cast %reduce_sum3A_98 : vector<1xf32> to vector<1x1x1x1xf32>
    %reduce_sum3A_100 = vector.extract %reduce_sum3A_99[0, 0, 0, 0] : f32 from vector<1x1x1x1xf32>
    %add3A_101 = arith.constant 9.99999997E-7 : f32
    %add3A_102 = arith.addf %reduce_sum3A_93, %add3A_101 : f32
    %div3A_103 = arith.divf %reduce_sum3A_100, %add3A_102 : f32
    %jit3A_104 = arith.constant 0.000000e+00 : f32
    %select_n3A_105 = arith.select %gt3A_95, %div3A_103, %jit3A_104 : f32
    %mul3A_106 = arith.constant 5.000000e-01 : f32
    %mul3A_107 = arith.mulf %mul3A_106, %select_n3A_105 : f32
    %add3A_108 = arith.addf %select_n3A_88, %mul3A_107 : f32
    %reshape3A = vector.broadcast %add3A_108 : f32 to vector<1x1xf32>
    %swap3A = arith.constant 0 : index
    %swap3A_109 = arith.constant 0 : index
    %swap3A_110 = vector.load %arg5[%swap3A, %swap3A_109] : memref<1x1xf32, #tpu.memory_space<vmem>>, vector<1x1xf32>
    tpu.vector_store %arg5[%swap3A, %swap3A_109], %reshape3A {strides = array<i32>} : memref<1x1xf32, #tpu.memory_space<vmem>>, vector<1x1xf32>,
    %reshape3A_111 = vector.broadcast %select_n3A_88 : f32 to vector<1x1xf32>
    %swap3A_112 = arith.constant 0 : index
    %swap3A_113 = arith.constant 0 : index
    %swap3A_114 = vector.load %arg6[%swap3A_112, %swap3A_113] : memref<1x1xf32, #tpu.memory_space<vmem>>, vector<1x1xf32>
    tpu.vector_store %arg6[%swap3A_112, %swap3A_113], %reshape3A_111 {strides = array<i32>} : memref<1x1xf32, #tpu.memory_space<vmem>>, vector<1x1xf32>,
    %reshape3A_115 = vector.broadcast %select_n3A_105 : f32 to vector<1x1xf32>
    %swap3A_116 = arith.constant 0 : index
    %swap3A_117 = arith.constant 0 : index
    %swap3A_118 = vector.load %arg7[%swap3A_116, %swap3A_117] : memref<1x1xf32, #tpu.memory_space<vmem>>, vector<1x1xf32>
    tpu.vector_store %arg7[%swap3A_116, %swap3A_117], %reshape3A_115 {strides = array<i32>} : memref<1x1xf32, #tpu.memory_space<vmem>>, vector<1x1xf32>,
    return
  }
}

</mosaic_0001>

<sc_bundles>
// kernel: sparse-core-data-format-call.1.cloned.1.call-start
scs
called_computation.1_lowered:
.L_overlay_start_0:
0x0: {  	s2 =	sld [smem:$0x3FD9]  }
0x1: {  	s3 =	sld [smem:$0x3FFE];
	_ =	sdelay $0x1  }
0x2: {  	s1 =	srdreg.scid  }
0x3: {  	s0 =	sand.u32 $0x1, s1  }
0x4: {  	s18 =	sshll.u32 s0, $0xA;
	s2 =	sadd.s32 s3, s2  }
0x5: {  	s2 =	sadd.s32 s2, s18  }
0x6: {  	[smem:$0x3FC6] =	sst s2  }
0x7: {  	_ = 	snop  }
0x8: {  	s2 =	sld [smem:$0x3FC9];
	(tm) =	ssettm $0x1  }
0x9: {  	s19 =	sld [smem:$0x3FFB];
	_ =	sdelay $0x3  }
0xa: {  	_ =	strace s19  }
0xb: {  	s3 =	sld [smem:$0x3FFC];
	_ =	sdelay $0x3  }
0xc: {  	_ =	strace s3  }
0xd: {  	s3 =	sld [smem:$0x3FFD];
	_ =	sdelay $0x3  }
0xe: {  	_ =	strace s3  }
0xf: {  	_ =	strace $0x8FFFFFFF  }
0x10: {  	s20 =	sld [smem:$0x3FDB];
	_ =	sdelay $0x1  }
0x11: {  	s4 =	simm.s32 $_scs_section_size  }
0x12: {  	s5 =	simm.s32 $_size__tile_overlayer_lowered;
	s6 =	simm.s32 $_tile_overlayer_lowered  }
0x13: {  	s23 =	simm.s32 $0x1BFF;
	s22 =	sshll.u32 s6, $0x1;
	s3 =	sadd.s32 s4, s20  }
0x14: {  	s7 =	simm.s32 $0x0;
	s21 =	sshll.u32 s5, $0x1;
	s5 =	sadd.s32 s22, s3  }
0x15: {  	[timem:s7], [sflag:s23] =	dma.local [hbm:s5], s21  }
0x16: {  	_ =	swait.ge [sflag:s23], s21  }
0x17: {  	s4 =	ssub.s32 $0x0, s21;
	[sflag:s23] =	ssyncset.done $0x0  }
0x18: {  	[sflag:s23] =	ssyncadd.s32 s4;
	_ =	sdelay $0x1  }
0x19: {  	s24 =	simm.s32 $0x1B8B  }
0x1a: {  	_ =	swait.ge [sflag:s24], $0x1  }
0x1b: {  	[sflag:s24] =	ssyncset.done $0x0  }
0x1c: {  	s26 =	simm.s32 $0x1B8E;
	s25 =	sld [smem:$0x3FFE];
	[sflag:s24] =	ssyncadd.s32 $0xFFFFFFFF  }
0x1d: {  	s27 =	simm.s32 $execute0_lowered;
	[smem:$0x3FD2] =	sst s26  }
0x1e: {  	s5 =	sshll.u32 s27, $0x1;
	_ =	strace $0x80000046;
	[dreg:$0x1] =	wrdreg $0xFFFFFFFF  }
0x1f: {  	s28 =	simm.s32 $_size_execute0_lowered;
	s3 =	sadd.s32 s3, s5;
	[dreg:$0x0] =	wrdreg $0x0  }
0x20: {  	s5 =	sshll.u32 s28, $0x1;
	[dreg:$0x2] =	wrdreg s3  }
0x21: {  	[dreg:$0x3] =	wrdreg s5  }
0x22: {  	[dreg:$0x4] =	wrdreg $0xC0  }
0x23: {  	_ =	task [dreg:s7], $0x5FFFF  }
0x24: {  	[dreg:$0x1] =	wrdreg $0xFFFFFFFF  }
0x25: {  	[dreg:$0x0] =	wrdreg $0x60  }
0x26: {  	[dreg:$0x2] =	wrdreg s2  }
0x27: {  	[dreg:$0x3] =	wrdreg s25  }
0x28: {  	[dreg:$0x4] =	wrdreg $0xA  }
0x29: {  	_ =	task.clear_ibuf [dreg:s7], $0x5FFFF;
	_ =	strace $0x90000046  }
0x2a: {  	s29 =	simm.s32 $0xA;
	_ =	strace $0x80000048  }
0x2b: {  	_ =	swait.ge [sflag:s29], $0x1  }
0x2c: {  	[sflag:s29] =	ssyncadd.s32 $0xFFFFFFFF  }
0x2d: {  	_ =	strace $0x90000048  }
0x2e: {  	_ =	sfence  }
0x2f: {  	s30 =	sld [smem:$0x0];
	_ =	sdelay $0x2  }
0x30: {  	s31 =	sshll.u32 s1, $0xD;
	s1 =	sshrl.u32 s1, $0x2  }
0x31: {  	s3 =	sand.u32 $0x4000, s31;
	s1 =	sadd.s32 s1, s30  }
0x32: {  	s0 =	sor.u32 s3, s0;
	s1 =	sshll.u32 s1, $0x11  }
0x33: {  	s0 =	sor.u32 s1, s0  }
0x34: {  	s0 =	sadd.s32 $0x8F2B, s0  }
0x35: {  	[sflag:s0] =	ssyncadd.remote.s32 $0x1  }
0x36: {  	_ =	sfence.sel $0xFFFF  }
0x37: {  	[dreg:$0x0] =	wrdreg $0xFFFFFFFF;
	(pc) =	sbr.abs _section_cstart, $3  }
0x38: {  	[dreg:$0x1] =	wrdreg $0xFFFFFFFF  }
0x39: {  	_ =	task.clear_ibuf [dreg:s7], $0x2FFFF;
	_ =	strace $0x9FFFFFFF  }
0x3a: {  	(tm) =	ssettm $0x7FFFFFFF  }
0x3b: {  	_ =	shalt  }
tec
execute0_lowered:
.L_overlay_start_1:
0x0: {  	(tag) =	ssettag $0x1  }
0x1: {  	s0 =	srdreg.scid  }
0x2: {  	s1 =	sshll.u32 s0, $0x4  }
0x3: {  	s7 =	rddreg [dreg:$0x0];
	s0 =	stileid.u32;
	s1 =	sand.u32 $0x10, s1  }
0x4: {  	s5 =	rddreg [dreg:$0x1];
	s6 =	sor.u32 s0, s1  }
0x5: {  	s4 =	simm.s32 $0x1;
	s31 =	simm.s32 $0x2;
	s2 =	sshll.u32 s6, $0x4  }
0x6: {  	s13 =	simm.s32 $0x0;
	s9 =	simm.s32 $0x10000;
	s3 =	ssub.s32 $0x200, s2  }
0x7: {  	s10 =	simm.s32 $0x0;
	s14 =	simm.s32 $0x0;
	s30 =	sand.u32 $0x1F0, s3  }
0x8: {  	s11 =	simm.s32 $0x0;
	s12 =	simm.s32 $0x0;
	p0 =	sne.s32 s30, $0x0  }
.Ltmp0:
0x9: {  	s8 =	sshrl.u32 s3, $0x9;
	s4 =	simm.s32 @!p0 $0x0;
	(pc) =	sbr.rel .LBB1_1-.Ltmp0, $4  }
0xa: {  	s1 =	rddreg [dreg:$0x2];
	_ =	strace $0x80000047;
	s4 =	sadd.s32 s4, s8  }
0xb: {  	s6 =	sshll.u32 s6, $0xB;
	s3 =	simm.s32 $0x1;
	s4 =	smul.u32 $0x28, s4  }
0xc: {  	s5 =	sadd.s32 $0xC00, s5;
	s6 =	sadd.s32 s7, s6;
	[sflag:s3] =	ssyncpa.u1 $0x0  }
0xd: {  	[sflag:s31] =	ssyncpa.u1 $0x0;
	s8 =	simm.s32 $0x800;
	s7 =	sor.u32 $0x1, s4  }
.LBB1_7:
0xe: {  	s15 =	sadd.s32 $0x1, s11  }
0xf: {  	p1 =	sgt.s32 s15, $0x27  }
0x10: {  	s15 =	simm.s32 @p1 $0x0;
	p1 =	sne.s32 s12, s7  }
.Ltmp1:
0x11: {  	p0 =	slt.u32 s12, $0x2;
	(pc) =	sbr.rel @!p1 .LBB1_8-.Ltmp1, $4  }
0x12: {  	s13 =	simm.s32 @!p0 $0x2  }
0x13: {  	s16 =	sadd.s32 $0x1, s12;
	s14 =	smov.u32 s11;
	_ =	swait.ge @!p0 [sflag:s13], $0x4000  }
0x14: {  	s10 =	sadd.s32 $0x4000, s10;
	s12 =	smov.u32 s16;
	[sflag:s13] =	ssyncset.done @!p0 $0x0  }
0x15: {  	s11 =	smov.u32 s15;
	[sflag:s13] =	ssyncadd.s32 @!p0 $0xFFFFC000;
	s13 =	smov.u32 s2  }
.LBB1_1:
0x16: {  	p0 =	sge.u32 s12, s4  }
0x17: {  	s15 =	sxor.u32 @!p0 $0xFFFFFFFF, s12  }
0x18: {  	s31 =	sadd.s32 $0xFFFFFFFF, s12;
	s16 =	sshll.u32 @!p0 s11, $0x10;
	s15 =	sshll.u32 @!p0 s15, $0xE  }
0x19: {  	s17 =	simm.s32 @!p0 $0x0;
	s16 =	sadd.s32 @!p0 s16, s6;
	s15 =	sand.u32 @!p0 $0x4000, s15  }
0x1a: {  	[tilespmem:s15], [sflag:$0x1] =	stream.linear.gather @!p0 [hbm4b:s16+s17], $0x4000, $0x38;
	[tilespmem:$0x10000] =	vst v63  }
0x1b: {  	p0 =	sge.u32 s31, s4  }
.Ltmp2:
0x1c: {  	_ = 	snop;
	(pc) =	sbr.rel @p0 .LBB1_7-.Ltmp2, $1  }
0x1d: {  	_ =	sdelay $0x3  }
0x1e: {  	s16 =	sand.u32 $0x4000, s10  }
0x1f: {  	_ =	swait.ge [sflag:s3], $0x4000;
	s18 =	sshll.u32 s12, $0xE;
	s15 =	sor.u32 $0x8040, s16  }
0x20: {  	s17 =	sor.u32 $0x40, s16;
	[sflag:s3] =	ssyncset.done $0x0;
	s31 =	sand.u32 $0x4000, s18  }
0x21: {  	s18 =	simm.s32 $0x0;
	[sflag:s3] =	ssyncadd.s32 $0xFFFFC000;
	s16 =	sor.u32 $0x8000, s31  }
.LBB1_3:
0x22: {  	v0 =	vmov s17;
	_ =	sdelay $0x3  }
0x23: {  	s20 =	simm.s32 $0x0  }
0x24: {  	v6 =	vld.idx.msk [tilespmem:v0+s20+$0x30 ss:$0x1], $0xffff  }
0x25: {  	v7 =	vld.idx.msk [tilespmem:v0+s20+$0xFFFFFFC0 ss:$0x1], $0xffff  }
0x26: {  	v5 =	vld.idx.msk [tilespmem:v0+s20+$0xFFFFFFD0 ss:$0x1], $0xffff  }
0x27: {  	v4 =	vld.idx.msk [tilespmem:v0+s20+$0xFFFFFFE0 ss:$0x1], $0xffff  }
0x28: {  	v3 =	vld.idx.msk [tilespmem:v0+s20+$0xFFFFFFF0 ss:$0x1], $0xffff  }
0x29: {  	v1 =	vld.idx.msk [tilespmem:v0+s20+$0x0 ss:$0x1], $0xffff  }
0x2a: {  	v2 =	vld.idx.msk [tilespmem:v0+s20+$0x10 ss:$0x1], $0xffff;
	[tilespmem:s15+$0x30] =	vst v6  }
0x2b: {  	s19 =	simm.s32 $0x80;
	s21 =	simm.s32 $0x400;
	[tilespmem:s15+$0xFFFFFFC0] =	vst v7;
	v6 =	vld.idx.msk [tilespmem:v0+s20+$0x20 ss:$0x1], $0xffff;
	s20 =	smov.u32 s15  }
.LBB1_4:
0x2c: {  	p0 =	sne.s32 s21, $0xE00;
	v7 =	vld.idx.msk [tilespmem:v0+s19+$0x30 ss:$0x1], $0xffff;
	[tilespmem:s20+$0xFFFFFFD0] =	vst v5  }
0x2d: {  	v8 =	vld.idx.msk [tilespmem:v0+s19+$0xFFFFFFC0 ss:$0x1], $0xffff;
	[tilespmem:s20+$0xFFFFFFE0] =	vst v4  }
0x2e: {  	v5 =	vld.idx.msk [tilespmem:v0+s19+$0xFFFFFFD0 ss:$0x1], $0xffff;
	[tilespmem:s20+$0xFFFFFFF0] =	vst v3  }
.Ltmp3:
0x2f: {  	v4 =	vld.idx.msk [tilespmem:v0+s19+$0xFFFFFFE0 ss:$0x1], $0xffff;
	[tilespmem:s20+$0x0] =	vst v1;
	(pc) =	sbr.rel @p0 .LBB1_4-.Ltmp3, $4  }
0x30: {  	v3 =	vld.idx.msk [tilespmem:v0+s19+$0xFFFFFFF0 ss:$0x1], $0xffff;
	[tilespmem:s20+$0x10] =	vst v2  }
0x31: {  	v1 =	vld.idx.msk [tilespmem:v0+s19+$0x0 ss:$0x1], $0xffff;
	[tilespmem:s20+$0x20] =	vst v6;
	s20 =	sadd.s32 $0x800, s20  }
0x32: {  	v2 =	vld.idx.msk [tilespmem:v0+s19+$0x10 ss:$0x1], $0xffff;
	[tilespmem:s20+$0x30] =	vst v7  }
0x33: {  	[tilespmem:s20+$0xFFFFFFC0] =	vst v8;
	v6 =	vld.idx.msk [tilespmem:v0+s19+$0x20 ss:$0x1], $0xffff;
	s19 =	sshra.s32 s21, $0x2;
	s21 =	sadd.s32 $0x200, s21  }
0x34: {  	_ =	sdelay $0x2  }
0x35: {  	[tilespmem:s20+$0xFFFFFFD0] =	vst v5  }
0x36: {  	v56 =	vld.idx.msk [tilespmem:v0+s19+$0x30 ss:$0x1], $0xffff;
	[tilespmem:s20+$0xFFFFFFE0] =	vst v4  }
0x37: {  	v57 =	vld.idx.msk [tilespmem:v0+s19+$0xFFFFFFC0 ss:$0x1], $0xffff;
	[tilespmem:s20+$0xFFFFFFF0] =	vst v3  }
0x38: {  	v58 =	vld.idx.msk [tilespmem:v0+s19+$0xFFFFFFD0 ss:$0x1], $0xffff;
	[tilespmem:s20+$0x0] =	vst v1  }
0x39: {  	v59 =	vld.idx.msk [tilespmem:v0+s19+$0xFFFFFFE0 ss:$0x1], $0xffff;
	[tilespmem:s20+$0x10] =	vst v2  }
0x3a: {  	v60 =	vld.idx.msk [tilespmem:v0+s19+$0xFFFFFFF0 ss:$0x1], $0xffff;
	s31 =	sadd.s32 $0x800, s20;
	[tilespmem:s20+$0x20] =	vst v6  }
0x3b: {  	v61 =	vld.idx.msk [tilespmem:v0+s19+$0x0 ss:$0x1], $0xffff;
	[tilespmem:s31+$0x30] =	vst v56  }
0x3c: {  	v62 =	vld.idx.msk [tilespmem:v0+s19+$0x10 ss:$0x1], $0xffff;
	s18 =	sadd.s32 $0x1, s18;
	[tilespmem:s31+$0xFFFFFFC0] =	vst v57  }
0x3d: {  	v63 =	vld.idx.msk [tilespmem:v0+s19+$0x20 ss:$0x1], $0xffff;
	p0 =	sne.s32 s18, $0x10;
	[tilespmem:s31+$0xFFFFFFD0] =	vst v58  }
.Ltmp4:
0x3e: {  	[tilespmem:s31+$0xFFFFFFE0] =	vst v59;
	(pc) =	sbr.rel @p0 .LBB1_3-.Ltmp4, $4  }
0x3f: {  	[tilespmem:s31+$0xFFFFFFF0] =	vst v60  }
0x40: {  	[tilespmem:s31+$0x0] =	vst v61  }
0x41: {  	[tilespmem:s31+$0x10] =	vst v62  }
0x42: {  	s15 =	sadd.s32 $0x80, s15;
	s17 =	sadd.s32 $0x400, s17;
	[tilespmem:s31+$0x20] =	vst v63  }
.Ltmp5:
0x43: {  	(pc) =	sbr.rel .LBB1_7-.Ltmp5, $4  }
0x44: {  	s14 =	sshll.u32 s14, $0x10;
	s13 =	sshll.u32 s13, $0x4  }
0x45: {  	s13 =	sand.u32 $0x1F00, s13;
	s14 =	sadd.s32 s5, s14  }
0x46: {  	s13 =	sadd.s32 s13, s14  }
0x47: {  	[hbm4b:s13+s8] =	stream.strided.scatter [tilespmem:s16], [sflag:$0x2], $0x4000, s9, s8, $0x38;
	[tilespmem:$0x10000] =	vst v63  }
.LBB1_8:
0x48: {  	_ =	sfence.sel $0x180000  }
0x49: {  	s2 =	simm.s32 $0x1;
	[bflag:$0x0] =	sbarrier.arrive $0xFFFF  }
0x4a: {  	s31 =	simm.s32 $0x2;
	[sflag:s2] =	ssyncpa.u1 $0x1  }
0x4b: {  	[sflag:s31] =	ssyncpa.u1 $0x1  }
0x4c: {  	p0 =	sne.s32 s0, $0x0;
	_ =	strace $0x90000047  }
0x4d: {  	s0 =	sadd.s32 @!p0 $0x100000, s1;
	[bflag:$0x2] =	sbarrier.arrive $0xFFFF  }
0x4e: {  	[sflag:s0] =	ssyncadd.tile.s32 @!p0 $0x1;
	_ =	shalt  }
.Lfunc_end1:
_tile_overlayer_lowered:
.L_overlay_start_2:
0x4f: {  	(tag) =	ssettag $0x2  }
0x50: {  	s0 =	rddreg [dreg:$0x0];
	s2 =	stileid.u32  }
0x51: {  	s1 =	rddreg [dreg:$0x1];
	p0 =	sne.s32 s2, $0x0  }
0x52: {  	s3 =	rddreg [dreg:$0x2];
	[bflag:$0x3] =	sbarrier.arrive $0xFFFF;
	s2 =	simm.s32 @!p0 $0x1C01  }
0x53: {  	[timem:s3], [sflag:s2] =	dma.local @!p0 [hbm:s0], s1  }
0x54: {  	s0 =	simm.s32 @!p0 $0x1  }
0x55: {  	_ =	swait.ge @!p0 [sflag:s0], s1  }
0x56: {  	s1 =	ssub.s32 @!p0 $0x0, s1;
	[sflag:s0] =	ssyncset.done @!p0 $0x0  }
0x57: {  	[sflag:s0] =	ssyncadd.s32 @!p0 s1  }
0x58: {  	[bflag:$0x3] =	sbarrier.arrive $0xFFFF  }
0x59: {  	_ =	shalt  }

// kernel: sparse-core-data-format-call.cloned.1.call-start
scs
called_computation_lowered:
.L_overlay_start_0:
0x0: {  	s2 =	sld [smem:$0x3FD9]  }
0x1: {  	s3 =	sld [smem:$0x3FFE];
	_ =	sdelay $0x1  }
0x2: {  	s1 =	srdreg.scid  }
0x3: {  	s0 =	sand.u32 $0x1, s1  }
0x4: {  	s18 =	sshll.u32 s0, $0xA;
	s2 =	sadd.s32 s3, s2  }
0x5: {  	s2 =	sadd.s32 s2, s18  }
0x6: {  	[smem:$0x3FC6] =	sst s2  }
0x7: {  	_ = 	snop  }
0x8: {  	s19 =	sld [smem:$0x3FC8];
	(tm) =	ssettm $0x1  }
0x9: {  	s20 =	sld [smem:$0x3FFB];
	_ =	sdelay $0x3  }
0xa: {  	_ =	strace s20  }
0xb: {  	s2 =	sld [smem:$0x3FFC];
	_ =	sdelay $0x3  }
0xc: {  	_ =	strace s2  }
0xd: {  	s2 =	sld [smem:$0x3FFD];
	_ =	sdelay $0x3  }
0xe: {  	_ =	strace s2  }
0xf: {  	_ =	strace $0x8FFFFFFF  }
0x10: {  	s21 =	sld [smem:$0x3FDB];
	_ =	sdelay $0x1  }
0x11: {  	s4 =	simm.s32 $_scs_section_size  }
0x12: {  	s5 =	simm.s32 $_size__tile_overlayer_lowered;
	s6 =	simm.s32 $_tile_overlayer_lowered  }
0x13: {  	s7 =	simm.s32 $0x1BFF;
	s22 =	sshll.u32 s6, $0x1;
	s4 =	sadd.s32 s4, s21  }
0x14: {  	s23 =	simm.s32 $0x0;
	s5 =	sshll.u32 s5, $0x1;
	s6 =	sadd.s32 s22, s4  }
0x15: {  	[timem:s23], [sflag:s7] =	dma.local [hbm:s6], s5  }
0x16: {  	_ =	swait.ge [sflag:s7], s5  }
0x17: {  	s5 =	ssub.s32 $0x0, s5;
	[sflag:s7] =	ssyncset.done $0x0  }
0x18: {  	[sflag:s7] =	ssyncadd.s32 s5;
	_ =	sdelay $0x1  }
0x19: {  	s24 =	simm.s32 $0x1B8B  }
0x1a: {  	_ =	swait.ge [sflag:s24], $0x1  }
0x1b: {  	[sflag:s24] =	ssyncset.done $0x0  }
0x1c: {  	[sflag:s24] =	ssyncadd.s32 $0xFFFFFFFF  }
0x1d: {  	s5 =	sld [smem:$0x0]  }
0x1e: {  	s6 =	sand.u32 $0xFFFFFFFE, s1  }
0x1f: {  	p0 =	sne.s32 s1, s6  }
0x20: {  	s6 =	sshll.u32 @p0 s6, $0xE  }
0x21: {  	s6 =	sadd.s32 @p0 $0x11B8D, s6;
	s7 =	sshll.u32 @p0 s5, $0x11  }
0x22: {  	s6 =	sor.u32 @p0 s7, s6  }
0x23: {  	[sflag:s6] =	ssyncadd.remote.s32 @p0 $0x1;
	_ =	sdelay $0x1  }
0x24: {  	s6 =	simm.s32 @p0 $0x1B8D  }
0x25: {  	_ =	swait.eq @p0 [sflag:s6], $0x1  }
0x26: {  	[sflag:s6] =	ssyncadd.s32 @p0 $0xFFFFFFFF  }
0x27: {  	s7 =	sshll.u32 @!p0 s1, $0xE  }
0x28: {  	s7 =	sor.u32 @!p0 $0x4000, s7;
	s6 =	simm.s32 @!p0 $0x1B8D  }
0x29: {  	s5 =	sshll.u32 @!p0 s5, $0x11;
	s7 =	sadd.s32 @!p0 $0x11B8D, s7;
	_ =	swait.eq @!p0 [sflag:s6], $0x1  }
0x2a: {  	s5 =	sor.u32 @!p0 s5, s7;
	[sflag:s6] =	ssyncadd.s32 @!p0 $0xFFFFFFFF  }
0x2b: {  	s26 =	simm.s32 $0x1B8E;
	s25 =	sld [smem:$0x3FFE];
	[sflag:s5] =	ssyncadd.remote.s32 @!p0 $0x1  }
0x2c: {  	s27 =	simm.s32 $execute0_lowered;
	[smem:$0x3FD2] =	sst s26  }
0x2d: {  	s6 =	sshll.u32 s27, $0x1;
	_ =	strace $0x80000049;
	[dreg:$0x1] =	wrdreg $0xFFFFFFFF  }
0x2e: {  	s28 =	simm.s32 $_size_execute0_lowered;
	s4 =	sadd.s32 s4, s6;
	[dreg:$0x0] =	wrdreg $0x0  }
0x2f: {  	s6 =	sshll.u32 s28, $0x1;
	[dreg:$0x2] =	wrdreg s4  }
0x30: {  	[dreg:$0x3] =	wrdreg s6  }
0x31: {  	[dreg:$0x4] =	wrdreg $0xC0  }
0x32: {  	_ =	task [dreg:s23], $0x5FFFF  }
0x33: {  	[dreg:$0x1] =	wrdreg $0xFFFFFFFF  }
0x34: {  	[dreg:$0x0] =	wrdreg $0x60  }
0x35: {  	[dreg:$0x2] =	wrdreg s19  }
0x36: {  	[dreg:$0x3] =	wrdreg s25  }
0x37: {  	[dreg:$0x4] =	wrdreg $0x9  }
0x38: {  	_ =	task.clear_ibuf [dreg:s23], $0x5FFFF;
	_ =	strace $0x90000049  }
0x39: {  	s29 =	simm.s32 $0x9;
	_ =	strace $0x8000004B  }
0x3a: {  	_ =	swait.ge [sflag:s29], $0x1  }
0x3b: {  	[sflag:s29] =	ssyncadd.s32 $0xFFFFFFFF  }
0x3c: {  	_ =	strace $0x9000004B  }
0x3d: {  	_ =	sfence  }
0x3e: {  	s30 =	sld [smem:$0x0];
	_ =	sdelay $0x2  }
0x3f: {  	s31 =	sshll.u32 s1, $0xD;
	s1 =	sshrl.u32 s1, $0x2  }
0x40: {  	s4 =	sand.u32 $0x4000, s31;
	s1 =	sadd.s32 s1, s30  }
0x41: {  	s0 =	sor.u32 s4, s0;
	s1 =	sshll.u32 s1, $0x11  }
0x42: {  	s0 =	sor.u32 s1, s0  }
0x43: {  	s0 =	sadd.s32 $0x8F2B, s0  }
0x44: {  	[sflag:s0] =	ssyncadd.remote.s32 $0x1  }
0x45: {  	_ =	sfence.sel $0xFFFF  }
0x46: {  	[dreg:$0x0] =	wrdreg $0xFFFFFFFF;
	(pc) =	sbr.abs _section_cstart, $3  }
0x47: {  	[dreg:$0x1] =	wrdreg $0xFFFFFFFF  }
0x48: {  	_ =	task.clear_ibuf [dreg:s23], $0x2FFFF;
	_ =	strace $0x9FFFFFFF  }
0x49: {  	(tm) =	ssettm $0x7FFFFFFF  }
tec
execute0_lowered:
.L_overlay_start_1:
0x0: {  	(tag) =	ssettag $0x1  }
0x1: {  	s0 =	srdreg.scid  }
0x2: {  	s1 =	sshll.u32 s0, $0x4  }
0x3: {  	s7 =	rddreg [dreg:$0x0];
	s0 =	stileid.u32;
	s1 =	sand.u32 $0x10, s1  }
0x4: {  	s5 =	rddreg [dreg:$0x1];
	s6 =	sor.u32 s0, s1  }
0x5: {  	s4 =	simm.s32 $0x1;
	s31 =	simm.s32 $0x2;
	s2 =	sshll.u32 s6, $0x4  }
0x6: {  	s13 =	simm.s32 $0x0;
	s9 =	simm.s32 $0x10000;
	s3 =	ssub.s32 $0x200, s2  }
0x7: {  	s10 =	simm.s32 $0x0;
	s14 =	simm.s32 $0x0;
	s30 =	sand.u32 $0x1F0, s3  }
0x8: {  	s11 =	simm.s32 $0x0;
	s12 =	simm.s32 $0x0;
	p0 =	sne.s32 s30, $0x0  }
.Ltmp0:
0x9: {  	s8 =	sshrl.u32 s3, $0x9;
	s4 =	simm.s32 @!p0 $0x0;
	(pc) =	sbr.rel .LBB1_1-.Ltmp0, $4  }
0xa: {  	s1 =	rddreg [dreg:$0x2];
	_ =	strace $0x8000004A;
	s4 =	sadd.s32 s4, s8  }
0xb: {  	s6 =	sshll.u32 s6, $0xB;
	s3 =	simm.s32 $0x1;
	s4 =	smul.u32 $0x28, s4  }
0xc: {  	s5 =	sadd.s32 $0x280C00, s5;
	s6 =	sadd.s32 s7, s6;
	[sflag:s3] =	ssyncpa.u1 $0x0  }
0xd: {  	[sflag:s31] =	ssyncpa.u1 $0x0;
	s8 =	simm.s32 $0x800;
	s7 =	sor.u32 $0x1, s4  }
.LBB1_7:
0xe: {  	s15 =	sadd.s32 $0x1, s11  }
0xf: {  	p1 =	sgt.s32 s15, $0x27  }
0x10: {  	s15 =	simm.s32 @p1 $0x0;
	p1 =	sne.s32 s12, s7  }
.Ltmp1:
0x11: {  	p0 =	slt.u32 s12, $0x2;
	(pc) =	sbr.rel @!p1 .LBB1_8-.Ltmp1, $4  }
0x12: {  	s13 =	simm.s32 @!p0 $0x2  }
0x13: {  	s16 =	sadd.s32 $0x1, s12;
	s14 =	smov.u32 s11;
	_ =	swait.ge @!p0 [sflag:s13], $0x4000  }
0x14: {  	s10 =	sadd.s32 $0x4000, s10;
	s12 =	smov.u32 s16;
	[sflag:s13] =	ssyncset.done @!p0 $0x0  }
0x15: {  	s11 =	smov.u32 s15;
	[sflag:s13] =	ssyncadd.s32 @!p0 $0xFFFFC000;
	s13 =	smov.u32 s2  }
.LBB1_1:
0x16: {  	p0 =	sge.u32 s12, s4  }
0x17: {  	s15 =	sxor.u32 @!p0 $0xFFFFFFFF, s12  }
0x18: {  	s31 =	sadd.s32 $0xFFFFFFFF, s12;
	s16 =	sshll.u32 @!p0 s11, $0x10;
	s15 =	sshll.u32 @!p0 s15, $0xE  }
0x19: {  	s17 =	simm.s32 @!p0 $0x0;
	s16 =	sadd.s32 @!p0 s16, s6;
	s15 =	sand.u32 @!p0 $0x4000, s15  }
0x1a: {  	[tilespmem:s15], [sflag:$0x1] =	stream.linear.gather @!p0 [hbm4b:s16+s17], $0x4000, $0x38;
	[tilespmem:$0x10000] =	vst v63  }
0x1b: {  	p0 =	sge.u32 s31, s4  }
.Ltmp2:
0x1c: {  	_ = 	snop;
	(pc) =	sbr.rel @p0 .LBB1_7-.Ltmp2, $1  }
0x1d: {  	_ =	sdelay $0x3  }
0x1e: {  	s16 =	sand.u32 $0x4000, s10  }
0x1f: {  	_ =	swait.ge [sflag:s3], $0x4000;
	s18 =	sshll.u32 s12, $0xE;
	s15 =	sor.u32 $0x8040, s16  }
0x20: {  	s17 =	sor.u32 $0x40, s16;
	[sflag:s3] =	ssyncset.done $0x0;
	s31 =	sand.u32 $0x4000, s18  }
0x21: {  	s18 =	simm.s32 $0x0;
	[sflag:s3] =	ssyncadd.s32 $0xFFFFC000;
	s16 =	sor.u32 $0x8000, s31  }
.LBB1_3:
0x22: {  	v0 =	vmov s17;
	_ =	sdelay $0x3  }
0x23: {  	s20 =	simm.s32 $0x0  }
0x24: {  	v6 =	vld.idx.msk [tilespmem:v0+s20+$0x30 ss:$0x1], $0xffff  }
0x25: {  	v7 =	vld.idx.msk [tilespmem:v0+s20+$0xFFFFFFC0 ss:$0x1], $0xffff  }
0x26: {  	v5 =	vld.idx.msk [tilespmem:v0+s20+$0xFFFFFFD0 ss:$0x1], $0xffff  }
0x27: {  	v4 =	vld.idx.msk [tilespmem:v0+s20+$0xFFFFFFE0 ss:$0x1], $0xffff  }
0x28: {  	v3 =	vld.idx.msk [tilespmem:v0+s20+$0xFFFFFFF0 ss:$0x1], $0xffff  }
0x29: {  	v1 =	vld.idx.msk [tilespmem:v0+s20+$0x0 ss:$0x1], $0xffff  }
0x2a: {  	v2 =	vld.idx.msk [tilespmem:v0+s20+$0x10 ss:$0x1], $0xffff;
	[tilespmem:s15+$0x30] =	vst v6  }
0x2b: {  	s19 =	simm.s32 $0x80;
	s21 =	simm.s32 $0x400;
	[tilespmem:s15+$0xFFFFFFC0] =	vst v7;
	v6 =	vld.idx.msk [tilespmem:v0+s20+$0x20 ss:$0x1], $0xffff;
	s20 =	smov.u32 s15  }
.LBB1_4:
0x2c: {  	p0 =	sne.s32 s21, $0xE00;
	v7 =	vld.idx.msk [tilespmem:v0+s19+$0x30 ss:$0x1], $0xffff;
	[tilespmem:s20+$0xFFFFFFD0] =	vst v5  }
0x2d: {  	v8 =	vld.idx.msk [tilespmem:v0+s19+$0xFFFFFFC0 ss:$0x1], $0xffff;
	[tilespmem:s20+$0xFFFFFFE0] =	vst v4  }
0x2e: {  	v5 =	vld.idx.msk [tilespmem:v0+s19+$0xFFFFFFD0 ss:$0x1], $0xffff;
	[tilespmem:s20+$0xFFFFFFF0] =	vst v3  }
.Ltmp3:
0x2f: {  	v4 =	vld.idx.msk [tilespmem:v0+s19+$0xFFFFFFE0 ss:$0x1], $0xffff;
	[tilespmem:s20+$0x0] =	vst v1;
	(pc) =	sbr.rel @p0 .LBB1_4-.Ltmp3, $4  }
0x30: {  	v3 =	vld.idx.msk [tilespmem:v0+s19+$0xFFFFFFF0 ss:$0x1], $0xffff;
	[tilespmem:s20+$0x10] =	vst v2  }
0x31: {  	v1 =	vld.idx.msk [tilespmem:v0+s19+$0x0 ss:$0x1], $0xffff;
	[tilespmem:s20+$0x20] =	vst v6;
	s20 =	sadd.s32 $0x800, s20  }
0x32: {  	v2 =	vld.idx.msk [tilespmem:v0+s19+$0x10 ss:$0x1], $0xffff;
	[tilespmem:s20+$0x30] =	vst v7  }
0x33: {  	[tilespmem:s20+$0xFFFFFFC0] =	vst v8;
	v6 =	vld.idx.msk [tilespmem:v0+s19+$0x20 ss:$0x1], $0xffff;
	s19 =	sshra.s32 s21, $0x2;
	s21 =	sadd.s32 $0x200, s21  }
0x34: {  	_ =	sdelay $0x2  }
0x35: {  	[tilespmem:s20+$0xFFFFFFD0] =	vst v5  }
0x36: {  	v56 =	vld.idx.msk [tilespmem:v0+s19+$0x30 ss:$0x1], $0xffff;
	[tilespmem:s20+$0xFFFFFFE0] =	vst v4  }
0x37: {  	v57 =	vld.idx.msk [tilespmem:v0+s19+$0xFFFFFFC0 ss:$0x1], $0xffff;
	[tilespmem:s20+$0xFFFFFFF0] =	vst v3  }
0x38: {  	v58 =	vld.idx.msk [tilespmem:v0+s19+$0xFFFFFFD0 ss:$0x1], $0xffff;
	[tilespmem:s20+$0x0] =	vst v1  }
0x39: {  	v59 =	vld.idx.msk [tilespmem:v0+s19+$0xFFFFFFE0 ss:$0x1], $0xffff;
	[tilespmem:s20+$0x10] =	vst v2  }
0x3a: {  	v60 =	vld.idx.msk [tilespmem:v0+s19+$0xFFFFFFF0 ss:$0x1], $0xffff;
	s31 =	sadd.s32 $0x800, s20;
	[tilespmem:s20+$0x20] =	vst v6  }
0x3b: {  	v61 =	vld.idx.msk [tilespmem:v0+s19+$0x0 ss:$0x1], $0xffff;
	[tilespmem:s31+$0x30] =	vst v56  }
0x3c: {  	v62 =	vld.idx.msk [tilespmem:v0+s19+$0x10 ss:$0x1], $0xffff;
	s18 =	sadd.s32 $0x1, s18;
	[tilespmem:s31+$0xFFFFFFC0] =	vst v57  }
0x3d: {  	v63 =	vld.idx.msk [tilespmem:v0+s19+$0x20 ss:$0x1], $0xffff;
	p0 =	sne.s32 s18, $0x10;
	[tilespmem:s31+$0xFFFFFFD0] =	vst v58  }
.Ltmp4:
0x3e: {  	[tilespmem:s31+$0xFFFFFFE0] =	vst v59;
	(pc) =	sbr.rel @p0 .LBB1_3-.Ltmp4, $4  }
0x3f: {  	[tilespmem:s31+$0xFFFFFFF0] =	vst v60  }
0x40: {  	[tilespmem:s31+$0x0] =	vst v61  }
0x41: {  	[tilespmem:s31+$0x10] =	vst v62  }
0x42: {  	s15 =	sadd.s32 $0x80, s15;
	s17 =	sadd.s32 $0x400, s17;
	[tilespmem:s31+$0x20] =	vst v63  }
.Ltmp5:
0x43: {  	(pc) =	sbr.rel .LBB1_7-.Ltmp5, $4  }
0x44: {  	s14 =	sshll.u32 s14, $0x10;
	s13 =	sshll.u32 s13, $0x4  }
0x45: {  	s13 =	sand.u32 $0x1F00, s13;
	s14 =	sadd.s32 s5, s14  }
0x46: {  	s13 =	sadd.s32 s13, s14  }
0x47: {  	[hbm4b:s13+s8] =	stream.strided.scatter [tilespmem:s16], [sflag:$0x2], $0x4000, s9, s8, $0x38;
	[tilespmem:$0x10000] =	vst v63  }
.LBB1_8:
0x48: {  	_ =	sfence.sel $0x180000  }
0x49: {  	s2 =	simm.s32 $0x1;
	[bflag:$0x0] =	sbarrier.arrive $0xFFFF  }
0x4a: {  	s31 =	simm.s32 $0x2;
	[sflag:s2] =	ssyncpa.u1 $0x1  }
0x4b: {  	[sflag:s31] =	ssyncpa.u1 $0x1  }
0x4c: {  	p0 =	sne.s32 s0, $0x0;
	_ =	strace $0x9000004A  }
0x4d: {  	s0 =	sadd.s32 @!p0 $0x100000, s1;
	[bflag:$0x2] =	sbarrier.arrive $0xFFFF  }
0x4e: {  	[sflag:s0] =	ssyncadd.tile.s32 @!p0 $0x1;
	_ =	shalt  }
.Lfunc_end1:
_tile_overlayer_lowered:
.L_overlay_start_2:
0x4f: {  	(tag) =	ssettag $0x2  }
0x50: {  	s0 =	rddreg [dreg:$0x0];
	s2 =	stileid.u32  }
0x51: {  	s1 =	rddreg [dreg:$0x1];
	p0 =	sne.s32 s2, $0x0  }
0x52: {  	s3 =	rddreg [dreg:$0x2];
	[bflag:$0x3] =	sbarrier.arrive $0xFFFF;
	s2 =	simm.s32 @!p0 $0x1C01  }
0x53: {  	[timem:s3], [sflag:s2] =	dma.local @!p0 [hbm:s0], s1  }
0x54: {  	s0 =	simm.s32 @!p0 $0x1  }
0x55: {  	_ =	swait.ge @!p0 [sflag:s0], s1  }
0x56: {  	s1 =	ssub.s32 @!p0 $0x0, s1;
	[sflag:s0] =	ssyncset.done @!p0 $0x0  }
0x57: {  	[sflag:s0] =	ssyncadd.s32 @!p0 s1  }
0x58: {  	[bflag:$0x3] =	sbarrier.arrive $0xFFFF  }
0x59: {  	_ =	shalt  }

</sc_bundles>
